<compile_context>
chip_gen: v7x
topology: tpu7x:2x2x1
jax: 0.10.2.dev20260603
libtpu: 0.0.44.dev20260713+nightly
codegen_flags: <defaults>
</compile_context>

<pallas_src>
import functools

import jax
import jax.numpy as jnp
from jax import lax
from jax.experimental import pallas as pl
from jax.experimental.pallas import tpu as pltpu
from jax.experimental.pallas import tpu_sc as plsc

_C = 85
_S = 256
_NRV = _S // 16
_NCHUNK = 4096 // _S
_PAIRS = 96
_ITEMS = _PAIRS * _NCHUNK
_NW = 32
_PAIRS_PER_W = _PAIRS // _NW
_ITEMS_PER_W = _ITEMS // _NW
_STRIDE = 8.0
_OUT_ITEM = _S * _C
_IN_ITEM = _C * _S
_NGEN = (_C - 4) * _NRV


def _sc_body(x_hbm, out_hbm, in_a, in_b, out_a, out_b,
             isem_a, isem_b, osem_a, osem_b):
    wid = lax.axis_index("s") * 2 + lax.axis_index("c")
    lane = lax.iota(jnp.int32, 16)
    lane85 = lane * _C

    def fire(t, in_ref, isem):
        base = (wid * 3 + (t >> 4)) * _C * 4096 + (t & (_NCHUNK - 1)) * _S

        def row(c, carry):
            pltpu.async_copy(
                x_hbm.at[pl.ds(base + c * 4096, _S)],
                in_ref.at[pl.ds(c * _S, _S)], isem)
            return carry

        lax.fori_loop(0, _C, row, 0, unroll=False)

    def wait_in(in_ref, isem):
        pltpu.make_async_copy(x_hbm.at[pl.ds(0, _IN_ITEM)], in_ref, isem).wait()

    def drain_out(out_ref, osem):
        pltpu.make_async_copy(x_hbm.at[pl.ds(0, _OUT_ITEM)], out_ref, osem).wait()

    def compute(t, in_ref, out_ref, osem):
        pi = t >> 4
        aw = jnp.where(pi == 0, 10.0, jnp.where(pi == 1, 16.0, 33.0))
        ah = jnp.where(pi == 0, 13.0, jnp.where(pi == 1, 30.0, 23.0))
        s0 = (t & (_NCHUNK - 1)) * _S

        @plsc.parallel_loop(0, _NGEN, unroll=8)
        def _gen(g):
            v = in_ref[pl.ds(4 * _S + g * 16, 16)]
            e = jnp.exp(v)
            sig = e / (1.0 + e)
            idx = lane85 + ((g & (_NRV - 1)) * 16 * _C + (g >> 4) + 4)
            plsc.store_scatter(out_ref, [idx], sig)

        @plsc.parallel_loop(0, _NRV, unroll=4)
        def _box(rv):
            r_global = lane + (s0 + rv * 16)
            gx = (r_global & 63).astype(jnp.float32)
            gy = (r_global >> 6).astype(jnp.float32)
            base_idx = lane85 + rv * 16 * _C

            v0 = in_ref[pl.ds(rv * 16, 16)]
            e0 = jnp.exp(v0)
            plsc.store_scatter(out_ref, [base_idx],
                               (e0 / (1.0 + e0) + gx) * _STRIDE)
            v1 = in_ref[pl.ds(_S + rv * 16, 16)]
            e1 = jnp.exp(v1)
            plsc.store_scatter(out_ref, [base_idx + 1],
                               (e1 / (1.0 + e1) + gy) * _STRIDE)
            v2 = in_ref[pl.ds(2 * _S + rv * 16, 16)]
            plsc.store_scatter(out_ref, [base_idx + 2], jnp.exp(v2) * aw)
            v3 = in_ref[pl.ds(3 * _S + rv * 16, 16)]
            plsc.store_scatter(out_ref, [base_idx + 3], jnp.exp(v3) * ah)

        out_base = ((wid * 3 + pi) * _NCHUNK + (t & (_NCHUNK - 1))) * _OUT_ITEM
        pltpu.async_copy(out_ref, out_hbm.at[pl.ds(out_base, _OUT_ITEM)], osem)

    fire(0, in_a, isem_a)
    fire(1, in_b, isem_b)

    def step(t2, carry):
        ta = t2 * 2
        tb = ta + 1

        @pl.when(t2 > 0)
        def _():
            drain_out(out_a, osem_a)

        wait_in(in_a, isem_a)
        compute(ta, in_a, out_a, osem_a)

        @pl.when(ta + 2 < _ITEMS_PER_W)
        def _():
            fire(ta + 2, in_a, isem_a)

        @pl.when(t2 > 0)
        def _():
            drain_out(out_b, osem_b)

        wait_in(in_b, isem_b)
        compute(tb, in_b, out_b, osem_b)

        @pl.when(tb + 2 < _ITEMS_PER_W)
        def _():
            fire(tb + 2, in_b, isem_b)

        return carry

    lax.fori_loop(0, _ITEMS_PER_W // 2, step, 0, unroll=False)
    drain_out(out_a, osem_a)
    drain_out(out_b, osem_b)


_sc_call = functools.partial(
    pl.kernel,
    mesh=plsc.VectorSubcoreMesh(core_axis_name="c", subcore_axis_name="s"),
    out_type=jax.ShapeDtypeStruct((_ITEMS * _OUT_ITEM,), jnp.float32),
    scratch_types=[
        pltpu.VMEM((_IN_ITEM,), jnp.float32),
        pltpu.VMEM((_IN_ITEM,), jnp.float32),
        pltpu.VMEM((_OUT_ITEM,), jnp.float32),
        pltpu.VMEM((_OUT_ITEM,), jnp.float32),
        pltpu.SemaphoreType.DMA,
        pltpu.SemaphoreType.DMA,
        pltpu.SemaphoreType.DMA,
        pltpu.SemaphoreType.DMA,
    ],
    compiler_params=pltpu.CompilerParams(
        needs_layout_passes=False, use_tc_tiling_on_sc=True),
)(_sc_body)


@jax.jit
def kernel(x):
    B = x.shape[0]
    x1 = x.reshape(B * 3 * _C * 64 * 64)
    out = _sc_call(x1)
    return out.reshape(B, 3 * 64 * 64, _C)

# --- scband reference (transcript-rebuilt; emitter-appended) ---
"""Pipeline reference for scband-yolodetection-59914793779543 (READ-ONLY COPY).

The authoritative reference and input builder live on the scoring server;
editing this copy changes nothing except your own understanding.
"""

import jax, jax.numpy as jnp
import numpy as np

ANCHORS = [[10.0, 13.0], [16.0, 30.0], [33.0, 23.0]]
IMG_SIZE = 512
NUM_CLASSES = 80
NUM_ANCHORS = len(ANCHORS)


def setup_inputs(seed: int = 0) -> dict:
    key = jax.random.key(seed)
    x = jax.random.normal(key, (32, NUM_ANCHORS * (NUM_CLASSES + 5), 64, 64), dtype=jnp.float32)
    return {"x": x}


def reference(x):
    # targets=None inference path of YOLODetection.forward
    num_batches = x.shape[0]
    grid_size = x.shape[2]
    A = NUM_ANCHORS
    C = NUM_CLASSES
    prediction = x.reshape(num_batches, A, C + 5, grid_size, grid_size)
    prediction = jnp.transpose(prediction, (0, 1, 3, 4, 2))
    cx = jax.nn.sigmoid(prediction[..., 0])
    cy = jax.nn.sigmoid(prediction[..., 1])
    w = prediction[..., 2]
    h = prediction[..., 3]
    pred_conf = jax.nn.sigmoid(prediction[..., 4])
    pred_cls = jax.nn.sigmoid(prediction[..., 5:])
    stride = IMG_SIZE / grid_size
    grid_x = jnp.tile(jnp.arange(grid_size, dtype=jnp.float32), (grid_size, 1)).reshape(1, 1, grid_size, grid_size)
    grid_y = jnp.tile(jnp.arange(grid_size, dtype=jnp.float32), (grid_size, 1)).T.reshape(1, 1, grid_size, grid_size)
    scaled_anchor = jnp.asarray(ANCHORS, dtype=jnp.float32) / stride
    anchor_w = scaled_anchor[:, 0].reshape(1, A, 1, 1)
    anchor_h = scaled_anchor[:, 1].reshape(1, A, 1, 1)
    bx = cx + grid_x
    by = cy + grid_y
    bw = jnp.exp(w) * anchor_w
    bh = jnp.exp(h) * anchor_h
    pred_boxes = jnp.stack([bx, by, bw, bh], axis=-1)
    output = jnp.concatenate([
        pred_boxes.reshape(num_batches, -1, 4) * stride,
        pred_conf.reshape(num_batches, -1, 1),
        pred_cls.reshape(num_batches, -1, C),
    ], axis=-1)
    return output

if __name__ == "__main__":
    import jax
    _d = setup_inputs()
    print(jax.jit(kernel)(*tuple(_d.values())))

</pallas_src>

<mosaic_0001>
#map = affine_map<(d0, d1) -> (0)>
module attributes {stable_mosaic.version = 14 : i64} {
  func.func @_sc_body(%arg0: i32, %arg1: i32, %arg2: memref<33423360xf32, #tpu.memory_space<hbm>>, %arg3: memref<33423360xf32, #tpu.memory_space<hbm>>, %arg4: memref<21760xf32, #tpu.memory_space<vmem>>, %arg5: memref<21760xf32, #tpu.memory_space<vmem>>, %arg6: memref<21760xf32, #tpu.memory_space<vmem>>, %arg7: memref<21760xf32, #tpu.memory_space<vmem>>, %arg8: memref<!tpu.dma_semaphore, #tpu.memory_space<semaphore_mem>>, %arg9: memref<!tpu.dma_semaphore, #tpu.memory_space<semaphore_mem>>, %arg10: memref<!tpu.dma_semaphore, #tpu.memory_space<semaphore_mem>>, %arg11: memref<!tpu.dma_semaphore, #tpu.memory_space<semaphore_mem>>) attributes {dimension_semantics = [#tpu.dimension_semantics<core_parallel>, #tpu.dimension_semantics<subcore_parallel>], iteration_bounds = array<i64: 2, 16>, scalar_prefetch = 0 : i64, scratch_operands = 8 : i64, tpu.core_type = #tpu.core_type<sc_vector_subcore>, window_params = [{transform_indices = #map}, {transform_indices = #map}]} {
    %mul3A = arith.constant 2 : i32
    %mul3A_0 = arith.muli %arg1, %mul3A : i32
    %add3A = arith.addi %mul3A_0, %arg0 : i32
    %iota3A = tpu.iota {dimensions = array<i32: 0>} : vector<16xi32>
    %mul3A_1 = arith.constant 85 : i32
    %mul3A_2 = vector.broadcast %mul3A_1 : i32 to vector<16xi32>
    %mul3A_3 = arith.muli %iota3A, %mul3A_2 : vector<16xi32>
    %mul3A_4 = arith.constant 3 : i32
    %mul3A_5 = arith.muli %add3A, %mul3A_4 : i32
    %add3A_6 = arith.constant 0 : i32
    %add3A_7 = arith.addi %mul3A_5, %add3A_6 : i32
    %mul3A_8 = arith.constant 85 : i32
    %mul3A_9 = arith.muli %add3A_7, %mul3A_8 : i32
    %mul3A_10 = arith.constant 4096 : i32
    %mul3A_11 = arith.muli %mul3A_9, %mul3A_10 : i32
    %add3A_12 = arith.constant 0 : i32
    %add3A_13 = arith.addi %mul3A_11, %add3A_12 : i32
    %scan3A = arith.constant 0 : i32
    %scan3A_14 = arith.constant 0 : i32
    %scan3A_15 = arith.constant 85 : i32
    %scan3A_16 = arith.addi %scan3A_14, %scan3A_15 : i32
    %scan3A_17 = arith.constant 1 : i32
    scf.for %scan3A_48 = %scan3A_14 to %scan3A_16 step %scan3A_17  : i32 {
      %mul3A_49 = arith.constant 4096 : i32
      %mul3A_50 = arith.muli %scan3A_48, %mul3A_49 : i32
      %add3A_51 = arith.addi %add3A_13, %mul3A_50 : i32
      %mul3A_52 = arith.constant 256 : i32
      %mul3A_53 = arith.muli %scan3A_48, %mul3A_52 : i32
      %dma_start3A = tpu.memref_slice %arg4[%mul3A_53] : memref<21760xf32, #tpu.memory_space<vmem>> -> memref<256xf32, #tpu.memory_space<vmem>>
      %dma_start3A_54 = tpu.memref_slice %arg2[%add3A_51] : memref<33423360xf32, #tpu.memory_space<hbm>> -> memref<256xf32, #tpu.memory_space<hbm>>
      %dma_start3A_55 = tpu.memref_slice %arg4[%mul3A_53] : memref<21760xf32, #tpu.memory_space<vmem>> -> memref<256xf32, #tpu.memory_space<vmem>>
      %dma_start3A_56 = tpu.memref_slice %arg2[%add3A_51] : memref<33423360xf32, #tpu.memory_space<hbm>> -> memref<256xf32, #tpu.memory_space<hbm>>
      tpu.enqueue_dma source(%dma_start3A_56 : memref<256xf32, #tpu.memory_space<hbm>>) target(%dma_start3A_55 : memref<256xf32, #tpu.memory_space<vmem>>) target_semaphore(%arg8 : memref<!tpu.dma_semaphore, #tpu.memory_space<semaphore_mem>>)
    }
    %scan3A_18 = arith.constant 85 : i32
    %mul3A_19 = arith.constant 3 : i32
    %mul3A_20 = arith.muli %add3A, %mul3A_19 : i32
    %add3A_21 = arith.constant 0 : i32
    %add3A_22 = arith.addi %mul3A_20, %add3A_21 : i32
    %mul3A_23 = arith.constant 85 : i32
    %mul3A_24 = arith.muli %add3A_22, %mul3A_23 : i32
    %mul3A_25 = arith.constant 4096 : i32
    %mul3A_26 = arith.muli %mul3A_24, %mul3A_25 : i32
    %add3A_27 = arith.constant 256 : i32
    %add3A_28 = arith.addi %mul3A_26, %add3A_27 : i32
    %scan3A_29 = arith.constant 0 : i32
    %scan3A_30 = arith.constant 0 : i32
    %scan3A_31 = arith.constant 85 : i32
    %scan3A_32 = arith.addi %scan3A_30, %scan3A_31 : i32
    %scan3A_33 = arith.constant 1 : i32
    scf.for %scan3A_48 = %scan3A_30 to %scan3A_32 step %scan3A_33  : i32 {
      %mul3A_49 = arith.constant 4096 : i32
      %mul3A_50 = arith.muli %scan3A_48, %mul3A_49 : i32
      %add3A_51 = arith.addi %add3A_28, %mul3A_50 : i32
      %mul3A_52 = arith.constant 256 : i32
      %mul3A_53 = arith.muli %scan3A_48, %mul3A_52 : i32
      %dma_start3A = tpu.memref_slice %arg5[%mul3A_53] : memref<21760xf32, #tpu.memory_space<vmem>> -> memref<256xf32, #tpu.memory_space<vmem>>
      %dma_start3A_54 = tpu.memref_slice %arg2[%add3A_51] : memref<33423360xf32, #tpu.memory_space<hbm>> -> memref<256xf32, #tpu.memory_space<hbm>>
      %dma_start3A_55 = tpu.memref_slice %arg5[%mul3A_53] : memref<21760xf32, #tpu.memory_space<vmem>> -> memref<256xf32, #tpu.memory_space<vmem>>
      %dma_start3A_56 = tpu.memref_slice %arg2[%add3A_51] : memref<33423360xf32, #tpu.memory_space<hbm>> -> memref<256xf32, #tpu.memory_space<hbm>>
      tpu.enqueue_dma source(%dma_start3A_56 : memref<256xf32, #tpu.memory_space<hbm>>) target(%dma_start3A_55 : memref<256xf32, #tpu.memory_space<vmem>>) target_semaphore(%arg9 : memref<!tpu.dma_semaphore, #tpu.memory_space<semaphore_mem>>)
    }
    %scan3A_34 = arith.constant 85 : i32
    %scan3A_35 = arith.constant 0 : i32
    %scan3A_36 = arith.constant 0 : i32
    %scan3A_37 = arith.constant 24 : i32
    %scan3A_38 = arith.addi %scan3A_36, %scan3A_37 : i32
    %scan3A_39 = arith.constant 1 : i32
    scf.for %scan3A_48 = %scan3A_36 to %scan3A_38 step %scan3A_39  : i32 {
      %mul3A_49 = arith.constant 2 : i32
      %mul3A_50 = arith.muli %scan3A_48, %mul3A_49 : i32
      %add3A_51 = arith.constant 1 : i32
      %add3A_52 = arith.addi %mul3A_50, %add3A_51 : i32
      %gt3A = arith.constant 0 : i32
      %gt3A_53 = arith.cmpi sgt, %scan3A_48, %gt3A : i32
      %convert_element_type3A = arith.extui %gt3A_53 : i1 to i32
      %cond3A = arith.constant 0 : i32
      %cond3A_54 = arith.cmpi ne, %convert_element_type3A, %cond3A : i32
      scf.if %cond3A_54 {
        %dma_wait3A_158 = arith.constant 0 : i32
        %dma_wait3A_159 = tpu.memref_slice %arg2[%dma_wait3A_158] : memref<33423360xf32, #tpu.memory_space<hbm>> -> memref<21760xf32, #tpu.memory_space<hbm>>
        %dma_wait3A_160 = arith.constant 0 : i32
        %dma_wait3A_161 = tpu.memref_slice %arg2[%dma_wait3A_160] : memref<33423360xf32, #tpu.memory_space<hbm>> -> memref<21760xf32, #tpu.memory_space<hbm>>
        tpu.wait_dma2 semaphore(%arg10 : memref<!tpu.dma_semaphore, #tpu.memory_space<semaphore_mem>>) src(%dma_wait3A_161 : memref<21760xf32, #tpu.memory_space<hbm>>) dst(%arg6 : memref<21760xf32, #tpu.memory_space<vmem>>)
      } else {
      }
      %dma_wait3A_55 = arith.constant 0 : i32
      %dma_wait3A_56 = tpu.memref_slice %arg2[%dma_wait3A_55] : memref<33423360xf32, #tpu.memory_space<hbm>> -> memref<21760xf32, #tpu.memory_space<hbm>>
      %dma_wait3A_57 = arith.constant 0 : i32
      %dma_wait3A_58 = tpu.memref_slice %arg2[%dma_wait3A_57] : memref<33423360xf32, #tpu.memory_space<hbm>> -> memref<21760xf32, #tpu.memory_space<hbm>>
      tpu.wait_dma2 semaphore(%arg8 : memref<!tpu.dma_semaphore, #tpu.memory_space<semaphore_mem>>) src(%dma_wait3A_58 : memref<21760xf32, #tpu.memory_space<hbm>>) dst(%arg4 : memref<21760xf32, #tpu.memory_space<vmem>>)
      %shift_right_arithmetic3A = arith.constant 4 : i32
      %shift_right_arithmetic3A_59 = arith.shrsi %mul3A_50, %shift_right_arithmetic3A : i32
      %eq3A = arith.constant 0 : i32
      %eq3A_60 = arith.cmpi eq, %shift_right_arithmetic3A_59, %eq3A : i32
      %eq3A_61 = arith.constant 1 : i32
      %eq3A_62 = arith.cmpi eq, %shift_right_arithmetic3A_59, %eq3A_61 : i32
      %jit3A = arith.constant 1.600000e+01 : f32
      %jit3A_63 = arith.constant 3.300000e+01 : f32
      %select_n3A = arith.select %eq3A_62, %jit3A, %jit3A_63 : f32
      %jit3A_64 = arith.constant 1.000000e+01 : f32
      %select_n3A_65 = arith.select %eq3A_60, %jit3A_64, %select_n3A : f32
      %eq3A_66 = arith.constant 0 : i32
      %eq3A_67 = arith.cmpi eq, %shift_right_arithmetic3A_59, %eq3A_66 : i32
      %eq3A_68 = arith.constant 1 : i32
      %eq3A_69 = arith.cmpi eq, %shift_right_arithmetic3A_59, %eq3A_68 : i32
      %jit3A_70 = arith.constant 3.000000e+01 : f32
      %jit3A_71 = arith.constant 2.300000e+01 : f32
      %select_n3A_72 = arith.select %eq3A_69, %jit3A_70, %jit3A_71 : f32
      %jit3A_73 = arith.constant 1.300000e+01 : f32
      %select_n3A_74 = arith.select %eq3A_67, %jit3A_73, %select_n3A_72 : f32
      %and3A = arith.constant 15 : i32
      %and3A_75 = arith.andi %mul3A_50, %and3A : i32
      %mul3A_76 = arith.constant 256 : i32
      %mul3A_77 = arith.muli %and3A_75, %mul3A_76 : i32
      %parallel_loop3A = arith.constant 0 : i32
      %parallel_loop3A_78 = arith.constant 1296 : i32
      %parallel_loop3A_79 = arith.constant 1 : i32
      scf.for %parallel_loop3A_158 = %parallel_loop3A to %parallel_loop3A_78 step %parallel_loop3A_79  : i32 {
        %parallel_loop3A_159 = arith.constant 16 : i32
        %parallel_loop3A_160 = arith.muli %parallel_loop3A_158, %parallel_loop3A_159 : i32
        %parallel_loop3A_161 = arith.constant 1024 : i32
        %parallel_loop3A_162 = arith.addi %parallel_loop3A_161, %parallel_loop3A_160 : i32
        %parallel_loop3A_163 = arith.index_cast %parallel_loop3A_162 : i32 to index
        %parallel_loop3A_164 = tpu.vector_load %arg4[%parallel_loop3A_163] {strides = array<i32>} : memref<21760xf32, #tpu.memory_space<vmem>>, vector<16xf32>,
        %parallel_loop3A_165 = math.exp %parallel_loop3A_164 : vector<16xf32>
        %parallel_loop3A_166 = arith.constant 1.000000e+00 : f32
        %parallel_loop3A_167 = vector.broadcast %parallel_loop3A_166 : f32 to vector<16xf32>
        %parallel_loop3A_168 = arith.addf %parallel_loop3A_167, %parallel_loop3A_165 : vector<16xf32>
        %parallel_loop3A_169 = arith.divf %parallel_loop3A_165, %parallel_loop3A_168 : vector<16xf32>
        %parallel_loop3A_170 = arith.constant 15 : i32
        %parallel_loop3A_171 = arith.andi %parallel_loop3A_158, %parallel_loop3A_170 : i32
        %parallel_loop3A_172 = arith.constant 16 : i32
        %parallel_loop3A_173 = arith.muli %parallel_loop3A_171, %parallel_loop3A_172 : i32
        %parallel_loop3A_174 = arith.constant 85 : i32
        %parallel_loop3A_175 = arith.muli %parallel_loop3A_173, %parallel_loop3A_174 : i32
        %parallel_loop3A_176 = arith.constant 4 : i32
        %parallel_loop3A_177 = arith.shrsi %parallel_loop3A_158, %parallel_loop3A_176 : i32
        %parallel_loop3A_178 = arith.addi %parallel_loop3A_175, %parallel_loop3A_177 : i32
        %parallel_loop3A_179 = arith.constant 4 : i32
        %parallel_loop3A_180 = arith.addi %parallel_loop3A_178, %parallel_loop3A_179 : i32
        %parallel_loop3A_181 = vector.broadcast %parallel_loop3A_180 : i32 to vector<16xi32>
        %parallel_loop3A_182 = arith.addi %mul3A_3, %parallel_loop3A_181 : vector<16xi32>
        tpu.vector_store_idx %arg6[%parallel_loop3A_182], %parallel_loop3A_169 : memref<21760xf32, #tpu.memory_space<vmem>>[vector<16xi32>], vector<16xf32>,
      } {sc.loop_unroll_factor = 8 : i64, sc.parallel_access}
      %parallel_loop3A_80 = arith.constant 0 : i32
      %parallel_loop3A_81 = arith.constant 16 : i32
      %parallel_loop3A_82 = arith.constant 1 : i32
      scf.for %parallel_loop3A_158 = %parallel_loop3A_80 to %parallel_loop3A_81 step %parallel_loop3A_82  : i32 {
        %parallel_loop3A_159 = arith.constant 16 : i32
        %parallel_loop3A_160 = arith.muli %parallel_loop3A_158, %parallel_loop3A_159 : i32
        %parallel_loop3A_161 = arith.addi %mul3A_77, %parallel_loop3A_160 : i32
        %parallel_loop3A_162 = vector.broadcast %parallel_loop3A_161 : i32 to vector<16xi32>
        %parallel_loop3A_163 = arith.addi %iota3A, %parallel_loop3A_162 : vector<16xi32>
        %parallel_loop3A_164 = arith.constant 63 : i32
        %parallel_loop3A_165 = vector.broadcast %parallel_loop3A_164 : i32 to vector<16xi32>
        %parallel_loop3A_166 = arith.andi %parallel_loop3A_163, %parallel_loop3A_165 : vector<16xi32>
        %parallel_loop3A_167 = arith.sitofp %parallel_loop3A_166 : vector<16xi32> to vector<16xf32>
        %parallel_loop3A_168 = arith.constant 6 : i32
        %parallel_loop3A_169 = vector.broadcast %parallel_loop3A_168 : i32 to vector<16xi32>
        %parallel_loop3A_170 = arith.shrsi %parallel_loop3A_163, %parallel_loop3A_169 : vector<16xi32>
        %parallel_loop3A_171 = arith.sitofp %parallel_loop3A_170 : vector<16xi32> to vector<16xf32>
        %parallel_loop3A_172 = arith.constant 16 : i32
        %parallel_loop3A_173 = arith.muli %parallel_loop3A_158, %parallel_loop3A_172 : i32
        %parallel_loop3A_174 = arith.constant 85 : i32
        %parallel_loop3A_175 = arith.muli %parallel_loop3A_173, %parallel_loop3A_174 : i32
        %parallel_loop3A_176 = vector.broadcast %parallel_loop3A_175 : i32 to vector<16xi32>
        %parallel_loop3A_177 = arith.addi %mul3A_3, %parallel_loop3A_176 : vector<16xi32>
        %parallel_loop3A_178 = arith.constant 16 : i32
        %parallel_loop3A_179 = arith.muli %parallel_loop3A_158, %parallel_loop3A_178 : i32
        %parallel_loop3A_180 = arith.index_cast %parallel_loop3A_179 : i32 to index
        %parallel_loop3A_181 = tpu.vector_load %arg4[%parallel_loop3A_180] {strides = array<i32>} : memref<21760xf32, #tpu.memory_space<vmem>>, vector<16xf32>,
        %parallel_loop3A_182 = math.exp %parallel_loop3A_181 : vector<16xf32>
        %parallel_loop3A_183 = arith.constant 1.000000e+00 : f32
        %parallel_loop3A_184 = vector.broadcast %parallel_loop3A_183 : f32 to vector<16xf32>
        %parallel_loop3A_185 = arith.addf %parallel_loop3A_184, %parallel_loop3A_182 : vector<16xf32>
        %parallel_loop3A_186 = arith.divf %parallel_loop3A_182, %parallel_loop3A_185 : vector<16xf32>
        %parallel_loop3A_187 = arith.addf %parallel_loop3A_186, %parallel_loop3A_167 : vector<16xf32>
        %parallel_loop3A_188 = arith.constant 8.000000e+00 : f32
        %parallel_loop3A_189 = vector.broadcast %parallel_loop3A_188 : f32 to vector<16xf32>
        %parallel_loop3A_190 = arith.mulf %parallel_loop3A_187, %parallel_loop3A_189 : vector<16xf32>
        tpu.vector_store_idx %arg6[%parallel_loop3A_177], %parallel_loop3A_190 : memref<21760xf32, #tpu.memory_space<vmem>>[vector<16xi32>], vector<16xf32>,
        %parallel_loop3A_191 = arith.constant 16 : i32
        %parallel_loop3A_192 = arith.muli %parallel_loop3A_158, %parallel_loop3A_191 : i32
        %parallel_loop3A_193 = arith.constant 256 : i32
        %parallel_loop3A_194 = arith.addi %parallel_loop3A_193, %parallel_loop3A_192 : i32
        %parallel_loop3A_195 = arith.index_cast %parallel_loop3A_194 : i32 to index
        %parallel_loop3A_196 = tpu.vector_load %arg4[%parallel_loop3A_195] {strides = array<i32>} : memref<21760xf32, #tpu.memory_space<vmem>>, vector<16xf32>,
        %parallel_loop3A_197 = math.exp %parallel_loop3A_196 : vector<16xf32>
        %parallel_loop3A_198 = arith.constant 1 : i32
        %parallel_loop3A_199 = vector.broadcast %parallel_loop3A_198 : i32 to vector<16xi32>
        %parallel_loop3A_200 = arith.addi %parallel_loop3A_177, %parallel_loop3A_199 : vector<16xi32>
        %parallel_loop3A_201 = arith.constant 1.000000e+00 : f32
        %parallel_loop3A_202 = vector.broadcast %parallel_loop3A_201 : f32 to vector<16xf32>
        %parallel_loop3A_203 = arith.addf %parallel_loop3A_202, %parallel_loop3A_197 : vector<16xf32>
        %parallel_loop3A_204 = arith.divf %parallel_loop3A_197, %parallel_loop3A_203 : vector<16xf32>
        %parallel_loop3A_205 = arith.addf %parallel_loop3A_204, %parallel_loop3A_171 : vector<16xf32>
        %parallel_loop3A_206 = arith.constant 8.000000e+00 : f32
        %parallel_loop3A_207 = vector.broadcast %parallel_loop3A_206 : f32 to vector<16xf32>
        %parallel_loop3A_208 = arith.mulf %parallel_loop3A_205, %parallel_loop3A_207 : vector<16xf32>
        tpu.vector_store_idx %arg6[%parallel_loop3A_200], %parallel_loop3A_208 : memref<21760xf32, #tpu.memory_space<vmem>>[vector<16xi32>], vector<16xf32>,
        %parallel_loop3A_209 = arith.constant 16 : i32
        %parallel_loop3A_210 = arith.muli %parallel_loop3A_158, %parallel_loop3A_209 : i32
        %parallel_loop3A_211 = arith.constant 512 : i32
        %parallel_loop3A_212 = arith.addi %parallel_loop3A_211, %parallel_loop3A_210 : i32
        %parallel_loop3A_213 = arith.index_cast %parallel_loop3A_212 : i32 to index
        %parallel_loop3A_214 = tpu.vector_load %arg4[%parallel_loop3A_213] {strides = array<i32>} : memref<21760xf32, #tpu.memory_space<vmem>>, vector<16xf32>,
        %parallel_loop3A_215 = arith.constant 2 : i32
        %parallel_loop3A_216 = vector.broadcast %parallel_loop3A_215 : i32 to vector<16xi32>
        %parallel_loop3A_217 = arith.addi %parallel_loop3A_177, %parallel_loop3A_216 : vector<16xi32>
        %parallel_loop3A_218 = math.exp %parallel_loop3A_214 : vector<16xf32>
        %parallel_loop3A_219 = vector.broadcast %select_n3A_65 : f32 to vector<16xf32>
        %parallel_loop3A_220 = arith.mulf %parallel_loop3A_218, %parallel_loop3A_219 : vector<16xf32>
        tpu.vector_store_idx %arg6[%parallel_loop3A_217], %parallel_loop3A_220 : memref<21760xf32, #tpu.memory_space<vmem>>[vector<16xi32>], vector<16xf32>,
        %parallel_loop3A_221 = arith.constant 16 : i32
        %parallel_loop3A_222 = arith.muli %parallel_loop3A_158, %parallel_loop3A_221 : i32
        %parallel_loop3A_223 = arith.constant 768 : i32
        %parallel_loop3A_224 = arith.addi %parallel_loop3A_223, %parallel_loop3A_222 : i32
        %parallel_loop3A_225 = arith.index_cast %parallel_loop3A_224 : i32 to index
        %parallel_loop3A_226 = tpu.vector_load %arg4[%parallel_loop3A_225] {strides = array<i32>} : memref<21760xf32, #tpu.memory_space<vmem>>, vector<16xf32>,
        %parallel_loop3A_227 = arith.constant 3 : i32
        %parallel_loop3A_228 = vector.broadcast %parallel_loop3A_227 : i32 to vector<16xi32>
        %parallel_loop3A_229 = arith.addi %parallel_loop3A_177, %parallel_loop3A_228 : vector<16xi32>
        %parallel_loop3A_230 = math.exp %parallel_loop3A_226 : vector<16xf32>
        %parallel_loop3A_231 = vector.broadcast %select_n3A_74 : f32 to vector<16xf32>
        %parallel_loop3A_232 = arith.mulf %parallel_loop3A_230, %parallel_loop3A_231 : vector<16xf32>
        tpu.vector_store_idx %arg6[%parallel_loop3A_229], %parallel_loop3A_232 : memref<21760xf32, #tpu.memory_space<vmem>>[vector<16xi32>], vector<16xf32>,
      } {sc.loop_unroll_factor = 4 : i64, sc.parallel_access}
      %mul3A_83 = arith.constant 3 : i32
      %mul3A_84 = arith.muli %add3A, %mul3A_83 : i32
      %add3A_85 = arith.addi %mul3A_84, %shift_right_arithmetic3A_59 : i32
      %mul3A_86 = arith.constant 16 : i32
      %mul3A_87 = arith.muli %add3A_85, %mul3A_86 : i32
      %and3A_88 = arith.constant 15 : i32
      %and3A_89 = arith.andi %mul3A_50, %and3A_88 : i32
      %add3A_90 = arith.addi %mul3A_87, %and3A_89 : i32
      %mul3A_91 = arith.constant 21760 : i32
      %mul3A_92 = arith.muli %add3A_90, %mul3A_91 : i32
      %dma_start3A = tpu.memref_slice %arg3[%mul3A_92] : memref<33423360xf32, #tpu.memory_space<hbm>> -> memref<21760xf32, #tpu.memory_space<hbm>>
      %dma_start3A_93 = tpu.memref_slice %arg3[%mul3A_92] : memref<33423360xf32, #tpu.memory_space<hbm>> -> memref<21760xf32, #tpu.memory_space<hbm>>
      tpu.enqueue_dma source(%arg6 : memref<21760xf32, #tpu.memory_space<vmem>>) target(%dma_start3A_93 : memref<21760xf32, #tpu.memory_space<hbm>>) target_semaphore(%arg10 : memref<!tpu.dma_semaphore, #tpu.memory_space<semaphore_mem>>)
      %add3A_94 = arith.constant 2 : i32
      %add3A_95 = arith.addi %mul3A_50, %add3A_94 : i32
      %lt3A = arith.constant 48 : i32
      %lt3A_96 = arith.cmpi slt, %add3A_95, %lt3A : i32
      %convert_element_type3A_97 = arith.extui %lt3A_96 : i1 to i32
      %cond3A_98 = arith.constant 0 : i32
      %cond3A_99 = arith.cmpi ne, %convert_element_type3A_97, %cond3A_98 : i32
      scf.if %cond3A_99 {
        %add3A_158 = arith.constant 2 : i32
        %add3A_159 = arith.addi %mul3A_50, %add3A_158 : i32
        %mul3A_160 = arith.constant 3 : i32
        %mul3A_161 = arith.muli %add3A, %mul3A_160 : i32
        %shift_right_arithmetic3A_162 = arith.constant 4 : i32
        %shift_right_arithmetic3A_163 = arith.shrsi %add3A_159, %shift_right_arithmetic3A_162 : i32
        %add3A_164 = arith.addi %mul3A_161, %shift_right_arithmetic3A_163 : i32
        %mul3A_165 = arith.constant 85 : i32
        %mul3A_166 = arith.muli %add3A_164, %mul3A_165 : i32
        %mul3A_167 = arith.constant 4096 : i32
        %mul3A_168 = arith.muli %mul3A_166, %mul3A_167 : i32
        %and3A_169 = arith.constant 15 : i32
        %and3A_170 = arith.andi %add3A_159, %and3A_169 : i32
        %mul3A_171 = arith.constant 256 : i32
        %mul3A_172 = arith.muli %and3A_170, %mul3A_171 : i32
        %add3A_173 = arith.addi %mul3A_168, %mul3A_172 : i32
        %scan3A_174 = arith.constant 0 : i32
        %scan3A_175 = arith.constant 0 : i32
        %scan3A_176 = arith.constant 85 : i32
        %scan3A_177 = arith.addi %scan3A_175, %scan3A_176 : i32
        %scan3A_178 = arith.constant 1 : i32
        scf.for %scan3A_180 = %scan3A_175 to %scan3A_177 step %scan3A_178  : i32 {
          %mul3A_181 = arith.constant 4096 : i32
          %mul3A_182 = arith.muli %scan3A_180, %mul3A_181 : i32
          %add3A_183 = arith.addi %add3A_173, %mul3A_182 : i32
          %mul3A_184 = arith.constant 256 : i32
          %mul3A_185 = arith.muli %scan3A_180, %mul3A_184 : i32
          %dma_start3A_186 = tpu.memref_slice %arg4[%mul3A_185] : memref<21760xf32, #tpu.memory_space<vmem>> -> memref<256xf32, #tpu.memory_space<vmem>>
          %dma_start3A_187 = tpu.memref_slice %arg2[%add3A_183] : memref<33423360xf32, #tpu.memory_space<hbm>> -> memref<256xf32, #tpu.memory_space<hbm>>
          %dma_start3A_188 = tpu.memref_slice %arg4[%mul3A_185] : memref<21760xf32, #tpu.memory_space<vmem>> -> memref<256xf32, #tpu.memory_space<vmem>>
          %dma_start3A_189 = tpu.memref_slice %arg2[%add3A_183] : memref<33423360xf32, #tpu.memory_space<hbm>> -> memref<256xf32, #tpu.memory_space<hbm>>
          tpu.enqueue_dma source(%dma_start3A_189 : memref<256xf32, #tpu.memory_space<hbm>>) target(%dma_start3A_188 : memref<256xf32, #tpu.memory_space<vmem>>) target_semaphore(%arg8 : memref<!tpu.dma_semaphore, #tpu.memory_space<semaphore_mem>>)
        }
        %scan3A_179 = arith.constant 85 : i32
      } else {
      }
      %gt3A_100 = arith.constant 0 : i32
      %gt3A_101 = arith.cmpi sgt, %scan3A_48, %gt3A_100 : i32
      %convert_element_type3A_102 = arith.extui %gt3A_101 : i1 to i32
      %cond3A_103 = arith.constant 0 : i32
      %cond3A_104 = arith.cmpi ne, %convert_element_type3A_102, %cond3A_103 : i32
      scf.if %cond3A_104 {
        %dma_wait3A_158 = arith.constant 0 : i32
        %dma_wait3A_159 = tpu.memref_slice %arg2[%dma_wait3A_158] : memref<33423360xf32, #tpu.memory_space<hbm>> -> memref<21760xf32, #tpu.memory_space<hbm>>
        %dma_wait3A_160 = arith.constant 0 : i32
        %dma_wait3A_161 = tpu.memref_slice %arg2[%dma_wait3A_160] : memref<33423360xf32, #tpu.memory_space<hbm>> -> memref<21760xf32, #tpu.memory_space<hbm>>
        tpu.wait_dma2 semaphore(%arg11 : memref<!tpu.dma_semaphore, #tpu.memory_space<semaphore_mem>>) src(%dma_wait3A_161 : memref<21760xf32, #tpu.memory_space<hbm>>) dst(%arg7 : memref<21760xf32, #tpu.memory_space<vmem>>)
      } else {
      }
      %dma_wait3A_105 = arith.constant 0 : i32
      %dma_wait3A_106 = tpu.memref_slice %arg2[%dma_wait3A_105] : memref<33423360xf32, #tpu.memory_space<hbm>> -> memref<21760xf32, #tpu.memory_space<hbm>>
      %dma_wait3A_107 = arith.constant 0 : i32
      %dma_wait3A_108 = tpu.memref_slice %arg2[%dma_wait3A_107] : memref<33423360xf32, #tpu.memory_space<hbm>> -> memref<21760xf32, #tpu.memory_space<hbm>>
      tpu.wait_dma2 semaphore(%arg9 : memref<!tpu.dma_semaphore, #tpu.memory_space<semaphore_mem>>) src(%dma_wait3A_108 : memref<21760xf32, #tpu.memory_space<hbm>>) dst(%arg5 : memref<21760xf32, #tpu.memory_space<vmem>>)
      %shift_right_arithmetic3A_109 = arith.constant 4 : i32
      %shift_right_arithmetic3A_110 = arith.shrsi %add3A_52, %shift_right_arithmetic3A_109 : i32
      %eq3A_111 = arith.constant 0 : i32
      %eq3A_112 = arith.cmpi eq, %shift_right_arithmetic3A_110, %eq3A_111 : i32
      %eq3A_113 = arith.constant 1 : i32
      %eq3A_114 = arith.cmpi eq, %shift_right_arithmetic3A_110, %eq3A_113 : i32
      %jit3A_115 = arith.constant 1.600000e+01 : f32
      %jit3A_116 = arith.constant 3.300000e+01 : f32
      %select_n3A_117 = arith.select %eq3A_114, %jit3A_115, %jit3A_116 : f32
      %jit3A_118 = arith.constant 1.000000e+01 : f32
      %select_n3A_119 = arith.select %eq3A_112, %jit3A_118, %select_n3A_117 : f32
      %eq3A_120 = arith.constant 0 : i32
      %eq3A_121 = arith.cmpi eq, %shift_right_arithmetic3A_110, %eq3A_120 : i32
      %eq3A_122 = arith.constant 1 : i32
      %eq3A_123 = arith.cmpi eq, %shift_right_arithmetic3A_110, %eq3A_122 : i32
      %jit3A_124 = arith.constant 3.000000e+01 : f32
      %jit3A_125 = arith.constant 2.300000e+01 : f32
      %select_n3A_126 = arith.select %eq3A_123, %jit3A_124, %jit3A_125 : f32
      %jit3A_127 = arith.constant 1.300000e+01 : f32
      %select_n3A_128 = arith.select %eq3A_121, %jit3A_127, %select_n3A_126 : f32
      %and3A_129 = arith.constant 15 : i32
      %and3A_130 = arith.andi %add3A_52, %and3A_129 : i32
      %mul3A_131 = arith.constant 256 : i32
      %mul3A_132 = arith.muli %and3A_130, %mul3A_131 : i32
      %parallel_loop3A_133 = arith.constant 0 : i32
      %parallel_loop3A_134 = arith.constant 1296 : i32
      %parallel_loop3A_135 = arith.constant 1 : i32
      scf.for %parallel_loop3A_158 = %parallel_loop3A_133 to %parallel_loop3A_134 step %parallel_loop3A_135  : i32 {
        %parallel_loop3A_159 = arith.constant 16 : i32
        %parallel_loop3A_160 = arith.muli %parallel_loop3A_158, %parallel_loop3A_159 : i32
        %parallel_loop3A_161 = arith.constant 1024 : i32
        %parallel_loop3A_162 = arith.addi %parallel_loop3A_161, %parallel_loop3A_160 : i32
        %parallel_loop3A_163 = arith.index_cast %parallel_loop3A_162 : i32 to index
        %parallel_loop3A_164 = tpu.vector_load %arg5[%parallel_loop3A_163] {strides = array<i32>} : memref<21760xf32, #tpu.memory_space<vmem>>, vector<16xf32>,
        %parallel_loop3A_165 = math.exp %parallel_loop3A_164 : vector<16xf32>
        %parallel_loop3A_166 = arith.constant 1.000000e+00 : f32
        %parallel_loop3A_167 = vector.broadcast %parallel_loop3A_166 : f32 to vector<16xf32>
        %parallel_loop3A_168 = arith.addf %parallel_loop3A_167, %parallel_loop3A_165 : vector<16xf32>
        %parallel_loop3A_169 = arith.divf %parallel_loop3A_165, %parallel_loop3A_168 : vector<16xf32>
        %parallel_loop3A_170 = arith.constant 15 : i32
        %parallel_loop3A_171 = arith.andi %parallel_loop3A_158, %parallel_loop3A_170 : i32
        %parallel_loop3A_172 = arith.constant 16 : i32
        %parallel_loop3A_173 = arith.muli %parallel_loop3A_171, %parallel_loop3A_172 : i32
        %parallel_loop3A_174 = arith.constant 85 : i32
        %parallel_loop3A_175 = arith.muli %parallel_loop3A_173, %parallel_loop3A_174 : i32
        %parallel_loop3A_176 = arith.constant 4 : i32
        %parallel_loop3A_177 = arith.shrsi %parallel_loop3A_158, %parallel_loop3A_176 : i32
        %parallel_loop3A_178 = arith.addi %parallel_loop3A_175, %parallel_loop3A_177 : i32
        %parallel_loop3A_179 = arith.constant 4 : i32
        %parallel_loop3A_180 = arith.addi %parallel_loop3A_178, %parallel_loop3A_179 : i32
        %parallel_loop3A_181 = vector.broadcast %parallel_loop3A_180 : i32 to vector<16xi32>
        %parallel_loop3A_182 = arith.addi %mul3A_3, %parallel_loop3A_181 : vector<16xi32>
        tpu.vector_store_idx %arg7[%parallel_loop3A_182], %parallel_loop3A_169 : memref<21760xf32, #tpu.memory_space<vmem>>[vector<16xi32>], vector<16xf32>,
      } {sc.loop_unroll_factor = 8 : i64, sc.parallel_access}
      %parallel_loop3A_136 = arith.constant 0 : i32
      %parallel_loop3A_137 = arith.constant 16 : i32
      %parallel_loop3A_138 = arith.constant 1 : i32
      scf.for %parallel_loop3A_158 = %parallel_loop3A_136 to %parallel_loop3A_137 step %parallel_loop3A_138  : i32 {
        %parallel_loop3A_159 = arith.constant 16 : i32
        %parallel_loop3A_160 = arith.muli %parallel_loop3A_158, %parallel_loop3A_159 : i32
        %parallel_loop3A_161 = arith.addi %mul3A_132, %parallel_loop3A_160 : i32
        %parallel_loop3A_162 = vector.broadcast %parallel_loop3A_161 : i32 to vector<16xi32>
        %parallel_loop3A_163 = arith.addi %iota3A, %parallel_loop3A_162 : vector<16xi32>
        %parallel_loop3A_164 = arith.constant 63 : i32
        %parallel_loop3A_165 = vector.broadcast %parallel_loop3A_164 : i32 to vector<16xi32>
        %parallel_loop3A_166 = arith.andi %parallel_loop3A_163, %parallel_loop3A_165 : vector<16xi32>
        %parallel_loop3A_167 = arith.sitofp %parallel_loop3A_166 : vector<16xi32> to vector<16xf32>
        %parallel_loop3A_168 = arith.constant 6 : i32
        %parallel_loop3A_169 = vector.broadcast %parallel_loop3A_168 : i32 to vector<16xi32>
        %parallel_loop3A_170 = arith.shrsi %parallel_loop3A_163, %parallel_loop3A_169 : vector<16xi32>
        %parallel_loop3A_171 = arith.sitofp %parallel_loop3A_170 : vector<16xi32> to vector<16xf32>
        %parallel_loop3A_172 = arith.constant 16 : i32
        %parallel_loop3A_173 = arith.muli %parallel_loop3A_158, %parallel_loop3A_172 : i32
        %parallel_loop3A_174 = arith.constant 85 : i32
        %parallel_loop3A_175 = arith.muli %parallel_loop3A_173, %parallel_loop3A_174 : i32
        %parallel_loop3A_176 = vector.broadcast %parallel_loop3A_175 : i32 to vector<16xi32>
        %parallel_loop3A_177 = arith.addi %mul3A_3, %parallel_loop3A_176 : vector<16xi32>
        %parallel_loop3A_178 = arith.constant 16 : i32
        %parallel_loop3A_179 = arith.muli %parallel_loop3A_158, %parallel_loop3A_178 : i32
        %parallel_loop3A_180 = arith.index_cast %parallel_loop3A_179 : i32 to index
        %parallel_loop3A_181 = tpu.vector_load %arg5[%parallel_loop3A_180] {strides = array<i32>} : memref<21760xf32, #tpu.memory_space<vmem>>, vector<16xf32>,
        %parallel_loop3A_182 = math.exp %parallel_loop3A_181 : vector<16xf32>
        %parallel_loop3A_183 = arith.constant 1.000000e+00 : f32
        %parallel_loop3A_184 = vector.broadcast %parallel_loop3A_183 : f32 to vector<16xf32>
        %parallel_loop3A_185 = arith.addf %parallel_loop3A_184, %parallel_loop3A_182 : vector<16xf32>
        %parallel_loop3A_186 = arith.divf %parallel_loop3A_182, %parallel_loop3A_185 : vector<16xf32>
        %parallel_loop3A_187 = arith.addf %parallel_loop3A_186, %parallel_loop3A_167 : vector<16xf32>
        %parallel_loop3A_188 = arith.constant 8.000000e+00 : f32
        %parallel_loop3A_189 = vector.broadcast %parallel_loop3A_188 : f32 to vector<16xf32>
        %parallel_loop3A_190 = arith.mulf %parallel_loop3A_187, %parallel_loop3A_189 : vector<16xf32>
        tpu.vector_store_idx %arg7[%parallel_loop3A_177], %parallel_loop3A_190 : memref<21760xf32, #tpu.memory_space<vmem>>[vector<16xi32>], vector<16xf32>,
        %parallel_loop3A_191 = arith.constant 16 : i32
        %parallel_loop3A_192 = arith.muli %parallel_loop3A_158, %parallel_loop3A_191 : i32
        %parallel_loop3A_193 = arith.constant 256 : i32
        %parallel_loop3A_194 = arith.addi %parallel_loop3A_193, %parallel_loop3A_192 : i32
        %parallel_loop3A_195 = arith.index_cast %parallel_loop3A_194 : i32 to index
        %parallel_loop3A_196 = tpu.vector_load %arg5[%parallel_loop3A_195] {strides = array<i32>} : memref<21760xf32, #tpu.memory_space<vmem>>, vector<16xf32>,
        %parallel_loop3A_197 = math.exp %parallel_loop3A_196 : vector<16xf32>
        %parallel_loop3A_198 = arith.constant 1 : i32
        %parallel_loop3A_199 = vector.broadcast %parallel_loop3A_198 : i32 to vector<16xi32>
        %parallel_loop3A_200 = arith.addi %parallel_loop3A_177, %parallel_loop3A_199 : vector<16xi32>
        %parallel_loop3A_201 = arith.constant 1.000000e+00 : f32
        %parallel_loop3A_202 = vector.broadcast %parallel_loop3A_201 : f32 to vector<16xf32>
        %parallel_loop3A_203 = arith.addf %parallel_loop3A_202, %parallel_loop3A_197 : vector<16xf32>
        %parallel_loop3A_204 = arith.divf %parallel_loop3A_197, %parallel_loop3A_203 : vector<16xf32>
        %parallel_loop3A_205 = arith.addf %parallel_loop3A_204, %parallel_loop3A_171 : vector<16xf32>
        %parallel_loop3A_206 = arith.constant 8.000000e+00 : f32
        %parallel_loop3A_207 = vector.broadcast %parallel_loop3A_206 : f32 to vector<16xf32>
        %parallel_loop3A_208 = arith.mulf %parallel_loop3A_205, %parallel_loop3A_207 : vector<16xf32>
        tpu.vector_store_idx %arg7[%parallel_loop3A_200], %parallel_loop3A_208 : memref<21760xf32, #tpu.memory_space<vmem>>[vector<16xi32>], vector<16xf32>,
        %parallel_loop3A_209 = arith.constant 16 : i32
        %parallel_loop3A_210 = arith.muli %parallel_loop3A_158, %parallel_loop3A_209 : i32
        %parallel_loop3A_211 = arith.constant 512 : i32
        %parallel_loop3A_212 = arith.addi %parallel_loop3A_211, %parallel_loop3A_210 : i32
        %parallel_loop3A_213 = arith.index_cast %parallel_loop3A_212 : i32 to index
        %parallel_loop3A_214 = tpu.vector_load %arg5[%parallel_loop3A_213] {strides = array<i32>} : memref<21760xf32, #tpu.memory_space<vmem>>, vector<16xf32>,
        %parallel_loop3A_215 = arith.constant 2 : i32
        %parallel_loop3A_216 = vector.broadcast %parallel_loop3A_215 : i32 to vector<16xi32>
        %parallel_loop3A_217 = arith.addi %parallel_loop3A_177, %parallel_loop3A_216 : vector<16xi32>
        %parallel_loop3A_218 = math.exp %parallel_loop3A_214 : vector<16xf32>
        %parallel_loop3A_219 = vector.broadcast %select_n3A_119 : f32 to vector<16xf32>
        %parallel_loop3A_220 = arith.mulf %parallel_loop3A_218, %parallel_loop3A_219 : vector<16xf32>
        tpu.vector_store_idx %arg7[%parallel_loop3A_217], %parallel_loop3A_220 : memref<21760xf32, #tpu.memory_space<vmem>>[vector<16xi32>], vector<16xf32>,
        %parallel_loop3A_221 = arith.constant 16 : i32
        %parallel_loop3A_222 = arith.muli %parallel_loop3A_158, %parallel_loop3A_221 : i32
        %parallel_loop3A_223 = arith.constant 768 : i32
        %parallel_loop3A_224 = arith.addi %parallel_loop3A_223, %parallel_loop3A_222 : i32
        %parallel_loop3A_225 = arith.index_cast %parallel_loop3A_224 : i32 to index
        %parallel_loop3A_226 = tpu.vector_load %arg5[%parallel_loop3A_225] {strides = array<i32>} : memref<21760xf32, #tpu.memory_space<vmem>>, vector<16xf32>,
        %parallel_loop3A_227 = arith.constant 3 : i32
        %parallel_loop3A_228 = vector.broadcast %parallel_loop3A_227 : i32 to vector<16xi32>
        %parallel_loop3A_229 = arith.addi %parallel_loop3A_177, %parallel_loop3A_228 : vector<16xi32>
        %parallel_loop3A_230 = math.exp %parallel_loop3A_226 : vector<16xf32>
        %parallel_loop3A_231 = vector.broadcast %select_n3A_128 : f32 to vector<16xf32>
        %parallel_loop3A_232 = arith.mulf %parallel_loop3A_230, %parallel_loop3A_231 : vector<16xf32>
        tpu.vector_store_idx %arg7[%parallel_loop3A_229], %parallel_loop3A_232 : memref<21760xf32, #tpu.memory_space<vmem>>[vector<16xi32>], vector<16xf32>,
      } {sc.loop_unroll_factor = 4 : i64, sc.parallel_access}
      %mul3A_139 = arith.constant 3 : i32
      %mul3A_140 = arith.muli %add3A, %mul3A_139 : i32
      %add3A_141 = arith.addi %mul3A_140, %shift_right_arithmetic3A_110 : i32
      %mul3A_142 = arith.constant 16 : i32
      %mul3A_143 = arith.muli %add3A_141, %mul3A_142 : i32
      %and3A_144 = arith.constant 15 : i32
      %and3A_145 = arith.andi %add3A_52, %and3A_144 : i32
      %add3A_146 = arith.addi %mul3A_143, %and3A_145 : i32
      %mul3A_147 = arith.constant 21760 : i32
      %mul3A_148 = arith.muli %add3A_146, %mul3A_147 : i32
      %dma_start3A_149 = tpu.memref_slice %arg3[%mul3A_148] : memref<33423360xf32, #tpu.memory_space<hbm>> -> memref<21760xf32, #tpu.memory_space<hbm>>
      %dma_start3A_150 = tpu.memref_slice %arg3[%mul3A_148] : memref<33423360xf32, #tpu.memory_space<hbm>> -> memref<21760xf32, #tpu.memory_space<hbm>>
      tpu.enqueue_dma source(%arg7 : memref<21760xf32, #tpu.memory_space<vmem>>) target(%dma_start3A_150 : memref<21760xf32, #tpu.memory_space<hbm>>) target_semaphore(%arg11 : memref<!tpu.dma_semaphore, #tpu.memory_space<semaphore_mem>>)
      %add3A_151 = arith.constant 2 : i32
      %add3A_152 = arith.addi %add3A_52, %add3A_151 : i32
      %lt3A_153 = arith.constant 48 : i32
      %lt3A_154 = arith.cmpi slt, %add3A_152, %lt3A_153 : i32
      %convert_element_type3A_155 = arith.extui %lt3A_154 : i1 to i32
      %cond3A_156 = arith.constant 0 : i32
      %cond3A_157 = arith.cmpi ne, %convert_element_type3A_155, %cond3A_156 : i32
      scf.if %cond3A_157 {
        %add3A_158 = arith.constant 2 : i32
        %add3A_159 = arith.addi %add3A_52, %add3A_158 : i32
        %mul3A_160 = arith.constant 3 : i32
        %mul3A_161 = arith.muli %add3A, %mul3A_160 : i32
        %shift_right_arithmetic3A_162 = arith.constant 4 : i32
        %shift_right_arithmetic3A_163 = arith.shrsi %add3A_159, %shift_right_arithmetic3A_162 : i32
        %add3A_164 = arith.addi %mul3A_161, %shift_right_arithmetic3A_163 : i32
        %mul3A_165 = arith.constant 85 : i32
        %mul3A_166 = arith.muli %add3A_164, %mul3A_165 : i32
        %mul3A_167 = arith.constant 4096 : i32
        %mul3A_168 = arith.muli %mul3A_166, %mul3A_167 : i32
        %and3A_169 = arith.constant 15 : i32
        %and3A_170 = arith.andi %add3A_159, %and3A_169 : i32
        %mul3A_171 = arith.constant 256 : i32
        %mul3A_172 = arith.muli %and3A_170, %mul3A_171 : i32
        %add3A_173 = arith.addi %mul3A_168, %mul3A_172 : i32
        %scan3A_174 = arith.constant 0 : i32
        %scan3A_175 = arith.constant 0 : i32
        %scan3A_176 = arith.constant 85 : i32
        %scan3A_177 = arith.addi %scan3A_175, %scan3A_176 : i32
        %scan3A_178 = arith.constant 1 : i32
        scf.for %scan3A_180 = %scan3A_175 to %scan3A_177 step %scan3A_178  : i32 {
          %mul3A_181 = arith.constant 4096 : i32
          %mul3A_182 = arith.muli %scan3A_180, %mul3A_181 : i32
          %add3A_183 = arith.addi %add3A_173, %mul3A_182 : i32
          %mul3A_184 = arith.constant 256 : i32
          %mul3A_185 = arith.muli %scan3A_180, %mul3A_184 : i32
          %dma_start3A_186 = tpu.memref_slice %arg5[%mul3A_185] : memref<21760xf32, #tpu.memory_space<vmem>> -> memref<256xf32, #tpu.memory_space<vmem>>
          %dma_start3A_187 = tpu.memref_slice %arg2[%add3A_183] : memref<33423360xf32, #tpu.memory_space<hbm>> -> memref<256xf32, #tpu.memory_space<hbm>>
          %dma_start3A_188 = tpu.memref_slice %arg5[%mul3A_185] : memref<21760xf32, #tpu.memory_space<vmem>> -> memref<256xf32, #tpu.memory_space<vmem>>
          %dma_start3A_189 = tpu.memref_slice %arg2[%add3A_183] : memref<33423360xf32, #tpu.memory_space<hbm>> -> memref<256xf32, #tpu.memory_space<hbm>>
          tpu.enqueue_dma source(%dma_start3A_189 : memref<256xf32, #tpu.memory_space<hbm>>) target(%dma_start3A_188 : memref<256xf32, #tpu.memory_space<vmem>>) target_semaphore(%arg9 : memref<!tpu.dma_semaphore, #tpu.memory_space<semaphore_mem>>)
        }
        %scan3A_179 = arith.constant 85 : i32
      } else {
      }
    }
    %scan3A_40 = arith.constant 24 : i32
    %dma_wait3A = arith.constant 0 : i32
    %dma_wait3A_41 = tpu.memref_slice %arg2[%dma_wait3A] : memref<33423360xf32, #tpu.memory_space<hbm>> -> memref<21760xf32, #tpu.memory_space<hbm>>
    %dma_wait3A_42 = arith.constant 0 : i32
    %dma_wait3A_43 = tpu.memref_slice %arg2[%dma_wait3A_42] : memref<33423360xf32, #tpu.memory_space<hbm>> -> memref<21760xf32, #tpu.memory_space<hbm>>
    tpu.wait_dma2 semaphore(%arg10 : memref<!tpu.dma_semaphore, #tpu.memory_space<semaphore_mem>>) src(%dma_wait3A_43 : memref<21760xf32, #tpu.memory_space<hbm>>) dst(%arg6 : memref<21760xf32, #tpu.memory_space<vmem>>)
    %dma_wait3A_44 = arith.constant 0 : i32
    %dma_wait3A_45 = tpu.memref_slice %arg2[%dma_wait3A_44] : memref<33423360xf32, #tpu.memory_space<hbm>> -> memref<21760xf32, #tpu.memory_space<hbm>>
    %dma_wait3A_46 = arith.constant 0 : i32
    %dma_wait3A_47 = tpu.memref_slice %arg2[%dma_wait3A_46] : memref<33423360xf32, #tpu.memory_space<hbm>> -> memref<21760xf32, #tpu.memory_space<hbm>>
    tpu.wait_dma2 semaphore(%arg11 : memref<!tpu.dma_semaphore, #tpu.memory_space<semaphore_mem>>) src(%dma_wait3A_47 : memref<21760xf32, #tpu.memory_space<hbm>>) dst(%arg7 : memref<21760xf32, #tpu.memory_space<vmem>>)
    return
  }
}

</mosaic_0001>

<sc_bundles>
// kernel: kernel.3.cloned.1.call-start
scs
__scs_entry_jumppad:
0x0: {  	(pc) =	sbr.rel $0x88, $3  }
0x1: {  	(tag) =	ssettag $0x0;
	lr =	simm.s32 $0x1  }
0x2: {  	[smem:$0x3FA0] =	sst lr;
	_ =	strace $0xD0000000  }
0x3: {  	_ = 	snop  }
0x4: {  	_ = 	snop  }
0x5: {  	_ = 	snop  }
0x6: {  	_ = 	snop  }
0x7: {  	_ = 	snop  }
__scs_overlays_trampoline_lowered:
0x8: {  	[smem:$0x3FAF] =	sst s0  }
0x9: {  	[smem:$0x3FB0] =	sst s1  }
0xa: {  	[smem:$0x3FB1] =	sst s2  }
0xb: {  	[smem:$0x3FB2] =	sst s3  }
0xc: {  	[smem:$0x3FB3] =	sst s4  }
0xd: {  	[smem:$0x3FB4] =	sst s5  }
0xe: {  	[smem:$0x3FB5] =	sst s6  }
0xf: {  	[smem:$0x3FB6] =	sst s7  }
0x10: {  	[smem:$0x3FB7] =	sst s8  }
0x11: {  	[smem:$0x3FB8] =	sst s9;
	s0 =	simm.s32 @!p0 $0x0  }
0x12: {  	s1 =	sld [smem:$0x3F9E];
	s0 =	simm.s32 @p0 $0x1  }
0x13: {  	[smem:$0x3FB9] =	sst s0;
	s0 =	simm.s32 @!p1 $0x0  }
0x14: {  	s2 =	sld [smem:$0x3F9D];
	s0 =	simm.s32 @p1 $0x1  }
0x15: {  	[smem:$0x3FBA] =	sst s0;
	s0 =	simm.s32 @!p2 $0x0  }
0x16: {  	s3 =	sld [smem:$0x3FDB];
	s0 =	simm.s32 @p2 $0x1  }
0x17: {  	s4 =	simm.s32 $0x1BF5;
	[smem:$0x3FBC] =	sst s0  }
0x18: {  	s0 =	sld [smem:$0x3F9F];
	_ =	swait.ge [sflag:s4], $0x0  }
0x19: {  	s7 =	sld [smem:$0x3FA0]  }
0x1a: {  	s8 =	sadd.s32 $0xFFFFE003, lr  }
0x1b: {  	s9 =	sadd.s32 $0xFFFFFEF7, lr;
	s5 =	simm.s32 $0xFFFFFFFF;
	p2 =	slt.u32 s8, $0xFFFFF086  }
0x1c: {  	p1 =	slt.u32 s9, $0xF7A;
	s5 =	simm.s32 @!p2 $0x0  }
0x1d: {  	s5 =	simm.s32 @p1 $0x1;
	p0 =	seq.s32 s7, s2  }
0x1e: {  	s7 =	smul.u32 @!p0 $0xF7A, s2;
	p2 =	seq.s32 @!p0 s5, $0x0  }
0x1f: {  	s9 =	smul.u32 $0xF7A, s1;
	s8 =	simm.s32 @!p0 $0x1BF5;
	p2 =	por !p2, p0  }
0x20: {  	[sflag:s8] =	ssyncset.s32 @!p0 $0xFFFFF086;
	s6 =	sadd.s32 @!p0 s3, s7;
	s7 =	simm.s32 @!p0 $0x108  }
0x21: {  	s3 =	sadd.s32 s3, s9;
	s6 =	sadd.s32 @!p0 $0x88, s6;
	s7 =	simm.s32 @p2 $0x1082  }
0x22: {  	[simem:s7], [sflag:s8] =	dma.local @!p0 [hbm:s6], $0xF7A  }
0x23: {  	s9 =	sor.u32 $0xD0000000, s2;
	s6 =	simm.s32 $0x108;
	_ =	swait.ge @!p0 [sflag:s8], $0x0  }
0x24: {  	s3 =	sadd.s32 $0x88, s3;
	s6 =	simm.s32 @!p1 $0x1082;
	[sflag:s4] =	ssyncset.s32 $0xFFFFF086  }
0x25: {  	[simem:s6], [sflag:s4] =	dma.local [hbm:s3], $0xF7A  }
0x26: {  	[smem:$0x3FA0] =	sst s1;
	(tag) =	ssettag s2;
	_ =	strace s9  }
0x27: {  	s1 =	sld [smem:$0x3FB0]  }
0x28: {  	s2 =	sld [smem:$0x3FB1]  }
0x29: {  	s4 =	sld [smem:$0x3FB3]  }
0x2a: {  	p0 =	seq.s32 s5, $0x0;
	s5 =	sld [smem:$0x3FB4]  }
0x2b: {  	s6 =	sld [smem:$0x3FB5]  }
0x2c: {  	s7 =	sld [smem:$0x3FB6]  }
0x2d: {  	s3 =	simm.s32 $0x108;
	s8 =	sld [smem:$0x3FB7]  }
0x2e: {  	s3 =	simm.s32 @!p0 $0x1082;
	s9 =	sld [smem:$0x3FB8]  }
0x2f: {  	lr =	sadd.s32 s0, s3;
	s0 =	sld [smem:$0x3FAF]  }
0x30: {  	s3 =	sld [smem:$0x3FB2]  }
0x31: {  	[smem:$0x3FBB] =	sst s10  }
0x32: {  	s10 =	sld [smem:$0x3FB9];
	_ =	sdelay $0x3  }
0x33: {  	p0 =	seq.s32 s10, $0x1;
	s10 =	sld [smem:$0x3FBB];
	_ =	sdelay $0x3  }
0x34: {  	[smem:$0x3FBB] =	sst s10  }
0x35: {  	s10 =	sld [smem:$0x3FBA];
	_ =	sdelay $0x3  }
0x36: {  	p1 =	seq.s32 s10, $0x1;
	s10 =	sld [smem:$0x3FBB];
	_ =	sdelay $0x3  }
0x37: {  	[smem:$0x3FBB] =	sst s10  }
0x38: {  	s10 =	sld [smem:$0x3FBC]  }
0x39: {  	_ = 	snop;
	(pc) =	sbr.ind lr, $3  }
0x3a: {  	_ = 	snop  }
0x3b: {  	_ = 	snop  }
0x3c: {  	p2 =	seq.s32 s10, $0x1;
	s10 =	sld [smem:$0x3FBB]  }
0x3d: {  	_ =	shalt  }
0x3e: {  	_ =	shalt  }
0x3f: {  	_ =	shalt  }
0x40: {  	_ =	shalt  }
0x41: {  	_ =	shalt  }
0x42: {  	_ =	shalt  }
0x43: {  	_ =	shalt  }
0x44: {  	_ =	shalt  }
0x45: {  	_ =	shalt  }
0x46: {  	_ =	shalt  }
0x47: {  	_ =	shalt  }
0x48: {  	_ =	shalt  }
0x49: {  	_ =	shalt  }
0x4a: {  	_ =	shalt  }
0x4b: {  	_ =	shalt  }
0x4c: {  	_ =	shalt  }
0x4d: {  	_ =	shalt  }
0x4e: {  	_ =	shalt  }
0x4f: {  	_ =	shalt  }
0x50: {  	_ =	shalt  }
0x51: {  	_ =	shalt  }
0x52: {  	_ =	shalt  }
0x53: {  	_ =	shalt  }
0x54: {  	_ =	shalt  }
0x55: {  	_ =	shalt  }
0x56: {  	_ =	shalt  }
0x57: {  	_ =	shalt  }
0x58: {  	_ =	shalt  }
0x59: {  	_ =	shalt  }
0x5a: {  	_ =	shalt  }
0x5b: {  	_ =	shalt  }
0x5c: {  	_ =	shalt  }
0x5d: {  	_ =	shalt  }
0x5e: {  	_ =	shalt  }
0x5f: {  	_ =	shalt  }
0x60: {  	_ =	shalt  }
0x61: {  	_ =	shalt  }
0x62: {  	_ =	shalt  }
0x63: {  	_ =	shalt  }
0x64: {  	_ =	shalt  }
0x65: {  	_ =	shalt  }
0x66: {  	_ =	shalt  }
0x67: {  	_ =	shalt  }
0x68: {  	_ =	shalt  }
0x69: {  	_ =	shalt  }
0x6a: {  	_ =	shalt  }
0x6b: {  	_ =	shalt  }
0x6c: {  	_ =	shalt  }
0x6d: {  	_ =	shalt  }
0x6e: {  	_ =	shalt  }
0x6f: {  	_ =	shalt  }
0x70: {  	_ =	shalt  }
0x71: {  	_ =	shalt  }
0x72: {  	_ =	shalt  }
0x73: {  	_ =	shalt  }
0x74: {  	_ =	shalt  }
0x75: {  	_ =	shalt  }
0x76: {  	_ =	shalt  }
0x77: {  	_ =	shalt  }
0x78: {  	_ =	shalt  }
0x79: {  	_ =	shalt  }
0x7a: {  	_ =	shalt  }
0x7b: {  	_ =	shalt  }
0x7c: {  	_ =	shalt  }
0x7d: {  	_ =	shalt  }
0x7e: {  	_ =	shalt  }
0x7f: {  	_ =	shalt  }
0x80: {  	_ =	shalt  }
0x81: {  	_ =	shalt  }
0x82: {  	_ =	shalt  }
0x83: {  	_ =	shalt  }
0x84: {  	_ =	shalt  }
0x85: {  	_ =	shalt  }
0x86: {  	_ =	shalt  }
0x87: {  	_ =	shalt  }
.Lfunc_end0:
.L_simem_size_0:
called_computation.1_lowered:
.L_overlay_start_0:
0x88: {  	s2 =	sld [smem:$0x3FD9]  }
0x89: {  	s3 =	sld [smem:$0x3FFE];
	_ =	sdelay $0x1  }
0x8a: {  	s1 =	srdreg.scid  }
0x8b: {  	s0 =	sand.u32 $0x1, s1  }
0x8c: {  	s17 =	sshll.u32 s0, $0xA;
	s2 =	sadd.s32 s3, s2  }
0x8d: {  	s2 =	sadd.s32 s2, s17  }
0x8e: {  	[smem:$0x3FC7] =	sst s2  }
0x8f: {  	_ = 	snop  }
0x90: {  	s2 =	sld [smem:$0x3FD0];
	(tm) =	ssettm $0x1  }
0x91: {  	s18 =	sld [smem:$0x3FFB];
	_ =	sdelay $0x3  }
0x92: {  	_ =	strace s18  }
0x93: {  	s3 =	sld [smem:$0x3FFC];
	_ =	sdelay $0x3  }
0x94: {  	_ =	strace s3  }
0x95: {  	s3 =	sld [smem:$0x3FFD];
	_ =	sdelay $0x3  }
0x96: {  	_ =	strace s3  }
0x97: {  	_ =	strace $0x8FFFFFFF  }
0x98: {  	s19 =	sld [smem:$0x3FDB];
	_ =	sdelay $0x1  }
0x99: {  	s4 =	simm.s32 $_scs_section_size  }
0x9a: {  	s5 =	simm.s32 $_size__tile_overlayer_lowered;
	s6 =	simm.s32 $_tile_overlayer_lowered  }
0x9b: {  	s22 =	simm.s32 $0x1BFF;
	s21 =	sshll.u32 s6, $0x1;
	s3 =	sadd.s32 s4, s19  }
0x9c: {  	s7 =	simm.s32 $0x0;
	s20 =	sshll.u32 s5, $0x1;
	s5 =	sadd.s32 s21, s3  }
0x9d: {  	[timem:s7], [sflag:s22] =	dma.local [hbm:s5], s20  }
0x9e: {  	_ =	swait.ge [sflag:s22], s20  }
0x9f: {  	s4 =	ssub.s32 $0x0, s20;
	[sflag:s22] =	ssyncset.done $0x0  }
0xa0: {  	[sflag:s22] =	ssyncadd.s32 s4;
	_ =	sdelay $0x1  }
0xa1: {  	s23 =	simm.s32 $0x1B8B  }
0xa2: {  	_ =	swait.ge [sflag:s23], $0x1  }
0xa3: {  	[sflag:s23] =	ssyncset.done $0x0  }
0xa4: {  	s25 =	simm.s32 $0x1B8E;
	s24 =	sld [smem:$0x3FFE];
	[sflag:s23] =	ssyncadd.s32 $0xFFFFFFFF  }
0xa5: {  	s26 =	simm.s32 $execute0_lowered;
	[smem:$0x3FD2] =	sst s25  }
0xa6: {  	s5 =	sshll.u32 s26, $0x1;
	_ =	strace $0x80000046;
	[dreg:$0x1] =	wrdreg $0xFFFFFFFF  }
0xa7: {  	s28 =	simm.s32 $_size_execute0_lowered;
	s3 =	sadd.s32 s3, s5;
	[dreg:$0x0] =	wrdreg $0x0  }
0xa8: {  	s5 =	sshll.u32 s28, $0x1;
	[dreg:$0x2] =	wrdreg s3  }
0xa9: {  	[dreg:$0x3] =	wrdreg s5  }
0xaa: {  	[dreg:$0x4] =	wrdreg $0xC0  }
0xab: {  	_ =	task [dreg:s7], $0x5FFFF  }
0xac: {  	[dreg:$0x1] =	wrdreg $0xFFFFFFFF  }
0xad: {  	[dreg:$0x0] =	wrdreg $0x60  }
0xae: {  	[dreg:$0x2] =	wrdreg s2  }
0xaf: {  	[dreg:$0x3] =	wrdreg s24  }
0xb0: {  	[dreg:$0x4] =	wrdreg $0x9  }
0xb1: {  	_ =	task.clear_ibuf [dreg:s7], $0x5FFFF;
	_ =	strace $0x90000046  }
0xb2: {  	s29 =	simm.s32 $0x9;
	_ =	strace $0x80000048  }
0xb3: {  	_ =	swait.ge [sflag:s29], $0x1  }
0xb4: {  	[sflag:s29] =	ssyncadd.s32 $0xFFFFFFFF  }
0xb5: {  	_ =	strace $0x90000048  }
0xb6: {  	_ =	sfence  }
0xb7: {  	s30 =	sld [smem:$0x0];
	_ =	sdelay $0x2  }
0xb8: {  	s31 =	sshll.u32 s1, $0xD;
	s1 =	sshrl.u32 s1, $0x2  }
0xb9: {  	s3 =	sand.u32 $0x4000, s31;
	s1 =	sadd.s32 s1, s30  }
0xba: {  	s0 =	sor.u32 s3, s0;
	s1 =	sshll.u32 s1, $0x11  }
0xbb: {  	s0 =	sor.u32 s1, s0  }
0xbc: {  	s0 =	sadd.s32 $0x8F2B, s0  }
0xbd: {  	[sflag:s0] =	ssyncadd.remote.s32 $0x1  }
0xbe: {  	_ =	sfence.sel $0xFFFF  }
0xbf: {  	[dreg:$0x0] =	wrdreg $0xFFFFFFFF;
	(pc) =	sbr.abs _section_cstart, $3  }
0xc0: {  	[dreg:$0x1] =	wrdreg $0xFFFFFFFF  }
0xc1: {  	_ =	task.clear_ibuf [dreg:s7], $0x2FFFF;
	_ =	strace $0x9FFFFFFF  }
0xc2: {  	(tm) =	ssettm $0x7FFFFFFF  }
0xc3: {  	_ =	shalt  }
tec
execute0_lowered:
.L_overlay_start_1:
0x0: {  	(tag) =	ssettag $0x1  }
0x1: {  	v2 =	vimm.f32 $1.500000000e+01  }
0x2: {  	vm0 =	vcmask $0x300;
	vm1 =	vcmask $0x704;
	v3 =	vimm.f32 $6.300000000e+01  }
0x3: {  	vm2 =	vcmask $0xB08;
	vm4 =	vcmask $0xF0C;
	vm5 =	vcmask $0x1310  }
0x4: {  	vm6 =	vcmask $0x1714;
	v2 =	vsel vm0, $0x0, v2;
	v3 =	vsel vm0, $0x42400000, v3  }
0x5: {  	s7 =	rddreg [dreg:$0x0];
	vm7 =	vcmask $0x1B18;
	v2 =	vsel vm1, $0x3F800000, v2;
	v3 =	vsel vm1, $0x42440000, v3  }
0x6: {  	s0 =	rddreg [dreg:$0x1];
	vm8 =	vcmask $0x1F1C;
	v2 =	vsel vm2, $0x40000000, v2;
	v3 =	vsel vm2, $0x42480000, v3  }
0x7: {  	s2 =	simm.s32 $0x0;
	s1 =	srdreg.scid;
	s8 =	stileid.u32;
	vm9 =	vcmask $0x2320;
	v2 =	vsel vm4, $0x40400000, v2;
	v3 =	vsel vm4, $0x424C0000, v3  }
0x8: {  	vm10 =	vcmask $0x2724;
	[smem:$0x7FF] =	sst s2;
	s4 =	smul.u32 $0x1FE000, s8;
	v2 =	vsel vm5, $0x40800000, v2;
	v3 =	vsel vm5, $0x42500000, v3  }
0x9: {  	vm11 =	vcmask $0x2B28;
	s1 =	sand.u32 $0x1, s1;
	s3 =	sshll.u32 s8, $0x1;
	s28 =	smul.u32 $0x6, s8;
	v2 =	vsel vm6, $0x40A00000, v2;
	v3 =	vsel vm6, $0x42540000, v3  }
0xa: {  	v0 =	vlaneseq.u32;
	s17 =	sadd.s32 $0x800, s0;
	_ =	strace $0x80000047;
	s6 =	smul.u32 $0xFF000, s1;
	v2 =	vsel vm7, $0x40C00000, v2;
	v3 =	vsel vm7, $0x42580000, v3  }
0xb: {  	vm12 =	vcmask $0x2F2C;
	s5 =	ssub.s32 $0x2, s1;
	s3 =	sor.u32 s1, s3;
	s1 =	smul.u32 $0x3, s1;
	v2 =	vsel vm8, $0x40E00000, v2;
	v3 =	vsel vm8, $0x425C0000, v3  }
0xc: {  	vm13 =	vcmask $0x3330;
	[dreg:$0x3] =	wrdreg s17;
	s25 =	sshrl.u32 s5, $0x1;
	s3 =	smul.u32 $0x3, s3;
	v2 =	vsel vm9, $0x41000000, v2;
	v3 =	vsel vm9, $0x42600000, v3  }
0xd: {  	vm14 =	vcmask $0x3734;
	s0 =	ssub.s32 s5, s25;
	s26 =	sadd.s32 s6, s4;
	s31 =	sadd.s32 s1, s28;
	v2 =	vsel vm10, $0x41100000, v2;
	v3 =	vsel vm10, $0x42640000, v3  }
.Ltmp0:
0xe: {  	v1 =	vmul.u32 $0x55, v0;
	[dreg:$0x4] =	wrdreg s3;
	s29 =	sshrl.u32 s26, $0x3;
	v2 =	vsel vm11, $0x41200000, v2;
	v3 =	vsel vm11, $0x42680000, v3;
	(pc) =	sbr.rel .LBB2_1-.Ltmp0, $4  }
0xf: {  	vm15 =	vcmask $0x3B38;
	s3 =	sor.u32 $0x100, s26;
	s0 =	smax.u32 s0, $0x1;
	[dreg:$0x8] =	wrdreg s31;
	v2 =	vsel vm12, $0x41300000, v2;
	v3 =	vsel vm12, $0x426C0000, v3  }
0x10: {  	v5 =	vadd.s32 $0x3, v1;
	[dreg:$0x5] =	wrdreg s0;
	s5 =	sadd.s32 s29, s7;
	s30 =	sshrl.u32 s3, $0x3;
	v2 =	vsel vm13, $0x41400000, v2;
	v4 =	vsel vm13, $0x42700000, v3  }
0x11: {  	s11 =	simm.s32 $0xAA00;
	s6 =	sadd.s32 s30, s7;
	[dreg:$0x6] =	wrdreg s5;
	v3 =	vadd.s32 $0x1, v1;
	v2 =	vsel vm14, $0x41500000, v2;
	v6 =	vsel vm14, $0x42740000, v4  }
0x12: {  	s14 =	simm.s32 $0xFF00;
	s3 =	simm.s32 $0x0;
	[dreg:$0x7] =	wrdreg s6;
	v4 =	vadd.s32 $0x2, v1;
	v2 =	vsel vm15, $0x41600000, v2;
	v6 =	vsel vm15, $0x42780000, v6  }
.LBB2_23:
0x13: {  	s0 =	simm.s32 $0x3  }
0x14: {  	_ =	swait.ge [sflag:s0], $0x5500  }
0x15: {  	[sflag:s0] =	ssyncset.done $0x0  }
0x16: {  	s1 =	simm.s32 $0x4;
	[sflag:s0] =	ssyncadd.s32 $0xFFFFAB00  }
0x17: {  	_ =	swait.ge [sflag:s1], $0x5500  }
0x18: {  	s3 =	rddreg [dreg:$0x9]  }
0x19: {  	s31 =	rddreg [dreg:$0x5];
	s3 =	sadd.s32 $0x1, s3  }
0x1a: {  	p0 =	sne.s32 s3, s31  }
.Ltmp1:
0x1b: {  	_ = 	snop;
	(pc) =	sbr.rel @!p0 .LBB2_24-.Ltmp1, $3  }
0x1c: {  	_ =	sdelay $0x1  }
0x1d: {  	[sflag:s1] =	ssyncset.done $0x0;
	s5 =	rddreg [dreg:$0x6]  }
0x1e: {  	s6 =	rddreg [dreg:$0x7];
	[sflag:s1] =	ssyncadd.s32 $0xFFFFAB00  }
.LBB2_1:
0x1f: {  	[dreg:$0x9] =	wrdreg s3;
	s0 =	simm.s32 $0x0;
	s1 =	simm.s32 $0x0  }
.LBB2_2:
0x20: {  	p0 =	sne.s32 s1, $0xA800  }
.Ltmp2:
0x21: {  	_ = 	snop;
	(pc) =	sbr.rel @p0 .LBB2_2-.Ltmp2, $4  }
0x22: {  	_ = 	snop  }
0x23: {  	s3 =	sadd.s32 s1, s5;
	s7 =	simm.s32 $0x0  }
0x24: {  	[tilespmem:s0], [sflag:$0x1] =	stream.linear.gather [hbm4b:s3+s7], $0x100, $0x38;
	[tilespmem:$0x15400] =	vst v63  }
0x25: {  	s1 =	sadd.s32 $0x200, s1;
	s0 =	sadd.s32 $0x100, s0  }
0x26: {  	s0 =	simm.s32 $0x5500;
	s1 =	simm.s32 $0x0  }
.LBB2_4:
0x27: {  	p0 =	sne.s32 s1, $0xA800  }
.Ltmp3:
0x28: {  	_ = 	snop;
	(pc) =	sbr.rel @p0 .LBB2_4-.Ltmp3, $4  }
0x29: {  	_ = 	snop  }
0x2a: {  	s3 =	sadd.s32 s1, s6  }
0x2b: {  	[tilespmem:s0], [sflag:$0x2] =	stream.linear.gather [hbm4b:s3+s7], $0x100, $0x38;
	[tilespmem:$0x15400] =	vst v63  }
0x2c: {  	s1 =	sadd.s32 $0x200, s1;
	s0 =	sadd.s32 $0x100, s0  }
0x2d: {  	s3 =	simm.s32 $0x2  }
0x2e: {  	s4 =	simm.s32 $0x1;
	s0 =	simm.s32 $0x2;
	s9 =	simm.s32 $0x0  }
.LBB2_6:
0x2f: {  	[dreg:$0xd] =	wrdreg s0  }
0x30: {  	s31 =	sshrl.u32 s0, $0x4;
	[dreg:$0xb] =	wrdreg s3;
	p0 =	seq.s32 s9, $0x0  }
0x31: {  	s5 =	sand.u32 $0xF, s3;
	[dreg:$0xc] =	wrdreg s4;
	s3 =	simm.s32 @!p0 $0x3  }
0x32: {  	s1 =	rddreg [dreg:$0x8];
	s10 =	simm.s32 $0x1;
	_ =	swait.ge @!p0 [sflag:s3], $0x5500  }
0x33: {  	s0 =	sadd.s32 s31, s1;
	[dreg:$0xa] =	wrdreg s7;
	[sflag:s3] =	ssyncset.done @!p0 $0x0  }
0x34: {  	s1 =	sshll.u32 s5, $0x8;
	s5 =	rddreg [dreg:$0x0];
	[sflag:s3] =	ssyncadd.s32 @!p0 $0xFFFFAB00  }
0x35: {  	_ =	swait.ge [sflag:s10], $0x5500  }
0x36: {  	[sflag:s10] =	ssyncset.done $0x0  }
0x37: {  	s12 =	simm.s32 $0x470;
	[sflag:s10] =	ssyncadd.s32 $0xFFFFAB00  }
0x38: {  	v7 =	vld [tilespmem:s12+$0xFFFFFF90]  }
0x39: {  	v8 =	vld [tilespmem:s12+$0xFFFFFFC0];
	_ =	sdelay $0x3  }
0x3a: {  	v9 =	vld [tilespmem:s12+$0xFFFFFFD0];
	v7 =	vmul.f32 $1.442695020e+00, v7  }
0x3b: {  	v10 =	vld [tilespmem:s12+$0x0];
	v8 =	vmul.f32 $1.442695020e+00, v8  }
0x3c: {  	v11 =	vld [tilespmem:s12+$0xFFFFFFB0];
	(erf) = vpow2.f32 v7  }
0x3d: {  	v12 =	vld [tilespmem:s12+$0xFFFFFFE0];
	(erf) = vpow2.f32 v8;
	_ =	sdelay $0x1  }
0x3e: {  	v7 =	vmul.f32 $1.442695020e+00, v9  }
0x3f: {  	v9 =	vld [tilespmem:s12+$0xFFFFFFF0];
	v8 =	vmul.f32 $1.442695020e+00, v10  }
0x40: {  	v10 =	vmul.f32 $1.442695020e+00, v11;
	v11 =	vld [tilespmem:s12+$0xFFFFFFA0];
	(erf) = vpow2.f32 v7  }
0x41: {  	v7 =	vmul.f32 $1.442695020e+00, v12;
	(erf) = vpow2.f32 v8  }
0x42: {  	(erf) = vpow2.f32 v10  }
0x43: {  	s13 =	simm.s32 $0x4F0;
	(erf) = vpow2.f32 v7  }
0x44: {  	v7 =	vmul.f32 $1.442695020e+00, v9;
	v9 =	vld [tilespmem:s13+$0xFFFFFF90];
	v12 =	vpop (erf)  }
0x45: {  	v10 =	vld [tilespmem:s13+$0xFFFFFFC0];
	v8 =	vmul.f32 $1.442695020e+00, v11;
	v11 =	vpop (erf)  }
0x46: {  	(erf) = vpow2.f32 v7;
	v7 =	vadd.f32 $1.000000000e+00, v11;
	_ =	sdelay $0x1  }
0x47: {  	v13 =	vld [tilespmem:s13+$0xFFFFFFD0];
	(erf) = vpow2.f32 v8;
	v16 =	vadd.f32 $1.000000000e+00, v12  }
0x48: {  	v15 =	vld [tilespmem:s13+$0x0];
	v9 =	vmul.f32 $1.442695020e+00, v9;
	v8 =	vpop (erf);
	(erf) = vrcp.f32 v7  }
0x49: {  	v18 =	vld [tilespmem:s13+$0xFFFFFFE0];
	v10 =	vmul.f32 $1.442695020e+00, v10;
	(erf) = vrcp.f32 v16;
	v7 =	vpop (erf)  }
0x4a: {  	s15 =	simm.s32 $0x0;
	v17 =	vld [tilespmem:s13+$0xFFFFFFB0];
	(erf) = vpow2.f32 v9;
	v23 =	vpop (erf)  }
0x4b: {  	s3 =	sand.u32 $0x8, s15;
	v14 =	vld [tilespmem:s13+$0xFFFFFFF0];
	(erf) = vpow2.f32 v10;
	v21 =	vpop (erf)  }
0x4c: {  	s18 =	simm.s32 $0x570;
	s3 =	smul.u32 $0x550, s3;
	v13 =	vmul.f32 $1.442695020e+00, v13;
	v16 =	vld [tilespmem:s13+$0xFFFFFFA0];
	v9 =	vadd.f32 $1.000000000e+00, v21  }
0x4d: {  	v28 =	vld [tilespmem:s18+$0x0];
	v10 =	vmul.f32 $1.442695020e+00, v15  }
0x4e: {  	s16 =	sadd.s32 $0x0, s3;
	v15 =	vmul.f32 $1.442695020e+00, v18;
	v18 =	vld [tilespmem:s18+$0xFFFFFF90];
	(erf) = vpow2.f32 v13  }
0x4f: {  	s19 =	sadd.s32 $0xFF4, s16;
	v13 =	vmul.f32 $1.442695020e+00, v17;
	v31 =	vpop (erf);
	(erf) = vrcp.f32 v9  }
0x50: {  	v24 =	vadd.s32 s19, v1;
	v14 =	vmul.f32 $1.442695020e+00, v14;
	(erf) = vpow2.f32 v10;
	v9 =	vpop (erf)  }
0x51: {  	v33 =	vld [tilespmem:s18+$0xFFFFFFC0];
	v19 =	vmul.f32 $1.442695020e+00, v16;
	v10 =	vadd.f32 $1.000000000e+00, v23;
	(erf) = vpow2.f32 v13;
	v16 =	vpop (erf)  }
0x52: {  	v22 =	vld [tilespmem:s18+$0xFFFFFFF0];
	s20 =	sadd.s32 $0x4, s16;
	v28 =	vmul.f32 $1.442695020e+00, v28;
	v13 =	vadd.f32 $1.000000000e+00, v8;
	(erf) = vpow2.f32 v15;
	v26 =	vpop (erf)  }
0x53: {  	v30 =	vadd.s32 s20, v1;
	v29 =	vmul.f32 $1.442695020e+00, v18;
	v18 =	vld [tilespmem:s18+$0xFFFFFFB0];
	(erf) = vrcp.f32 v10;
	v15 =	vpop (erf)  }
0x54: {  	v35 =	vld [tilespmem:s18+$0xFFFFFFD0];
	v20 =	vadd.f32 $1.000000000e+00, v31;
	v27 =	vmul.f32 v16, v11;
	(erf) = vrcp.f32 v13;
	v16 =	vpop (erf)  }
0x55: {  	s6 =	sand.u32 $0x7, s4;
	s0 =	smul.u32 $0x55000, s0;
	s28 =	sadd.s32 $0x1A94, s16;
	v38 =	vld [tilespmem:s18+$0xFFFFFFA0];
	v17 =	vadd.f32 $1.000000000e+00, v7;
	(erf) = vpow2.f32 v14;
	v14 =	vadd.f32 $1.000000000e+00, v16  }
0x56: {  	s26 =	simm.s32 $0x8;
	s4 =	sshll.u32 s6, $0x9;
	v25 =	vld [tilespmem:s18+$0xFFFFFFE0];
	v36 =	vadd.s32 s28, v1;
	v33 =	vmul.f32 $1.442695020e+00, v33;
	(erf) = vrcp.f32 v20  }
0x57: {  	s1 =	sor.u32 s1, s0;
	s0 =	sor.u32 s4, s0;
	s29 =	sadd.s32 $0xAA4, s16;
	v32 =	vmul.f32 v26, v12;
	v12 =	vadd.f32 $1.000000000e+00, v9;
	v13 =	vpop (erf);
	(erf) = vrcp.f32 v17  }
0x58: {  	s4 =	sand.u32 $0x8, s26;
	s1 =	sadd.s32 $0x100, s1;
	s21 =	sadd.s32 $0x554, s16;
	v39 =	vadd.s32 s29, v1;
	v26 =	vmul.f32 $1.442695020e+00, v18;
	(erf) = vpow2.f32 v19;
	v37 =	vpop (erf)  }
0x59: {  	s4 =	smul.u32 $0x550, s4;
	s1 =	sshrl.u32 s1, $0x3;
	v10 =	vadd.s32 s21, v1;
	[tilespmem:v24+s11+$0x0] =	vst.idx.msk $0xffff, v27;
	v27 =	vmul.f32 $1.442695020e+00, v35;
	(erf) = vrcp.f32 v14;
	v14 =	vpop (erf)  }
0x5a: {  	s22 =	sadd.s32 s1, s5;
	s24 =	sadd.s32 $0x2534, s16;
	v34 =	vadd.f32 $1.000000000e+00, v15;
	v24 =	vmul.f32 $1.442695020e+00, v38;
	v17 =	vmul.f32 $1.442695020e+00, v22;
	v18 =	vpop (erf)  }
0x5b: {  	s3 =	sadd.s32 $0x0, s4;
	s6 =	sadd.s32 $0x1544, s16;
	s1 =	sadd.s32 $0x1FE4, s16;
	v11 =	vadd.s32 s24, v1;
	v22 =	vmul.f32 $1.442695020e+00, v25;
	(erf) = vrcp.f32 v12;
	v12 =	vpop (erf)  }
0x5c: {  	s4 =	simm.s32 $0x10;
	s30 =	sadd.s32 $0xFF4, s3;
	v25 =	vadd.s32 s1, v1;
	v19 =	vadd.s32 s6, v1;
	(erf) = vrcp.f32 v34;
	v60 =	vpop (erf)  }
0x5d: {  	s31 =	sand.u32 $0x8, s4;
	v37 =	vmul.f32 v37, v21;
	v21 =	vadd.s32 s30, v1;
	(erf) = vpow2.f32 v29;
	v29 =	vpop (erf)  }
0x5e: {  	s8 =	sshll.u32 s7, $0x9;
	s0 =	sshrl.u32 s0, $0x3;
	[tilespmem:v30+s11+$0x0] =	vst.idx.msk $0xffff, v32;
	s1 =	smul.u32 $0x550, s31;
	v61 =	vadd.f32 $1.000000000e+00, v12;
	(erf) = vpow2.f32 v33;
	v62 =	vmul.f32 v60, v23;
	v23 =	vpop (erf)  }
0x5f: {  	s23 =	sand.u32 $0xE00, s8;
	s25 =	sadd.s32 s0, s5;
	v20 =	vadd.f32 $1.000000000e+00, v14;
	[tilespmem:v36+s11+$0x0] =	vst.idx.msk $0xffff, v37;
	v30 =	vadd.f32 $1.000000000e+00, v18;
	(erf) = vpow2.f32 v27;
	v63 =	vpop (erf)  }
0x60: {  	s0 =	sshll.u32 s9, $0x1;
	s5 =	simm.s32 $0x5F0;
	s1 =	sadd.s32 $0x1, s1;
	v27 =	vadd.f32 $1.000000000e+00, v23;
	(erf) = vrcp.f32 v61;
	[tilespmem:v39+s11+$0x0] =	vst.idx.msk $0xffff, v62;
	v31 =	vmul.f32 v63, v31;
	v32 =	vpop (erf)  }
.LBB2_7:
0x61: {  	(erf) = vpow2.f32 v28;
	v28 =	vadd.f32 $1.000000000e+00, v13;
	v34 =	vpop (erf);
	v29 =	vmul.f32 v29, v8  }
0x62: {  	s4 =	sadd.s32 $0x8, s4;
	v33 =	vld [tilespmem:s5+$0xFFFFFF90];
	v35 =	vmovc v10;
	v36 =	vmovc v15;
	v8 =	vmov v13;
	v37 =	vmov v18;
	v38 =	vmov v23  }
0x63: {  	s6 =	sand.u32 $0x8, s4;
	v18 =	vld [tilespmem:s5+$0xFFFFFFF0];
	p1 =	slt.u32 s4, $0x508;
	(erf) = vpow2.f32 v26;
	v10 =	vpop (erf);
	[tilespmem:v25+s11+$0x0] =	vst.idx.msk $0xffff, v31;
	v25 =	vmul.f32 v32, v7;
	v7 =	vmov v14  }
0x64: {  	s7 =	sadd.s32 $0x4, s3;
	s6 =	smul.u32 $0x550, s6;
	v14 =	vld [tilespmem:s5+$0xFFFFFFE0];
	(erf) = vpow2.f32 v22;
	v22 =	vmul.f32 v10, v16;
	[tilespmem:v19+s11+$0x0] =	vst.idx.msk $0xffff, v29;
	v10 =	vpop (erf)  }
0x65: {  	s8 =	sshrl.u32 s4, $0x4;
	v19 =	vadd.s32 s7, v1;
	s7 =	sadd.s32 $0x554, s3;
	v23 =	vld [tilespmem:s5+$0xFFFFFFC0];
	(erf) = vrcp.f32 v30;
	v26 =	vmul.f32 v10, v9;
	[tilespmem:v11+s11+$0x0] =	vst.idx.msk $0xffff, v25;
	v9 =	vmovc v34  }
0x66: {  	v10 =	vadd.s32 s7, v1;
	s7 =	sadd.s32 $0x2534, s3;
	s6 =	sadd.s32 s8, s6;
	v29 =	vld [tilespmem:s5+$0xFFFFFFD0];
	[tilespmem:v21+s11+$0x0] =	vst.idx.msk $0xffff, v22;
	v13 =	vpop (erf);
	(erf) = vrcp.f32 v28  }
0x67: {  	v11 =	vadd.s32 s7, v1;
	v21 =	vmul.f32 $1.442695020e+00, v33;
	v25 =	vld [tilespmem:s5+$0xFFFFFFB0];
	v15 =	vpop (erf);
	(erf) = vpow2.f32 v17;
	[tilespmem:v35+s11+$0x0] =	vst.idx.msk $0xffff, v26  }
0x68: {  	v30 =	vadd.f32 $1.000000000e+00, v9;
	v22 =	vmul.f32 v13, v36;
	v28 =	vld [tilespmem:s5+$0x0];
	v16 =	vpop (erf);
	(erf) = vrcp.f32 v27  }
0x69: {  	s7 =	sadd.s32 $0x1A94, s3;
	v27 =	vadd.f32 $1.000000000e+00, v15;
	v26 =	vadd.f32 $1.000000000e+00, v16;
	v13 =	vpop (erf);
	(erf) = vrcp.f32 v20  }
0x6a: {  	s8 =	sadd.s32 $0x1544, s3;
	v17 =	vmul.f32 $1.442695020e+00, v18;
	(erf) = vpow2.f32 v24;
	[tilespmem:v19+s11+$0x0] =	vst.idx.msk $0xffff, v22;
	v24 =	vadd.s32 s7, v1;
	v31 =	vpop (erf)  }
0x6b: {  	v22 =	vmul.f32 $1.442695020e+00, v14;
	s7 =	sadd.s32 $0xAA4, s3;
	v19 =	vadd.s32 s8, v1;
	(erf) = vrcp.f32 v26;
	v14 =	vpop (erf)  }
0x6c: {  	v33 =	vadd.s32 s7, v1;
	v32 =	vld [tilespmem:s5+$0xFFFFFFA0];
	v26 =	vmul.f32 $1.442695020e+00, v25;
	v18 =	vpop (erf);
	(erf) = vrcp.f32 v30  }
0x6d: {  	s7 =	sadd.s32 $0x1FE4, s3;
	s3 =	smov.u32 s1;
	s1 =	smov.u32 s6;
	v20 =	vadd.f32 $1.000000000e+00, v14;
	v30 =	vmul.f32 v31, v12;
	v28 =	vmul.f32 $1.442695020e+00, v28;
	v12 =	vpop (erf)  }
.Ltmp4:
0x6e: {  	v35 =	vmul.f32 $1.442695020e+00, v23;
	s6 =	sadd.s32 $0xFF4, s3;
	v25 =	vadd.s32 s7, v1;
	(erf) = vrcp.f32 v27;
	v27 =	vpop (erf);
	(pc) =	sbr.rel @p1 .LBB2_7-.Ltmp4, $4  }
0x6f: {  	v36 =	vmul.f32 $1.442695020e+00, v29;
	(erf) = vpow2.f32 v21;
	v21 =	vadd.s32 s6, v1;
	[tilespmem:v24+s11+$0x0] =	vst.idx.msk $0xffff, v30;
	v29 =	vpop (erf)  }
0x70: {  	v34 =	vadd.f32 $1.000000000e+00, v12;
	(erf) = vpow2.f32 v35;
	v23 =	vpop (erf);
	v35 =	vmul.f32 v27, v37  }
0x71: {  	v30 =	vadd.f32 $1.000000000e+00, v18;
	v24 =	vmul.f32 $1.442695020e+00, v32;
	(erf) = vpow2.f32 v36;
	v31 =	vpop (erf)  }
0x72: {  	s5 =	sadd.s32 $0x80, s5;
	v27 =	vadd.f32 $1.000000000e+00, v23;
	(erf) = vrcp.f32 v34;
	[tilespmem:v33+s11+$0x0] =	vst.idx.msk $0xffff, v35;
	v31 =	vmul.f32 v31, v38;
	v32 =	vpop (erf)  }
0x73: {  	(erf) = vpow2.f32 v28  }
0x74: {  	v28 =	vpop (erf);
	(erf) = vpow2.f32 v26;
	v26 =	vadd.f32 $1.000000000e+00, v13  }
0x75: {  	v33 =	vpop (erf);
	(erf) = vpow2.f32 v22  }
0x76: {  	v22 =	vpop (erf);
	(erf) = vrcp.f32 v30  }
0x77: {  	v30 =	vpop (erf);
	(erf) = vrcp.f32 v26  }
0x78: {  	v26 =	vpop (erf);
	(erf) = vpow2.f32 v17  }
0x79: {  	v17 =	vpop (erf);
	(erf) = vrcp.f32 v27  }
0x7a: {  	v27 =	vpop (erf);
	(erf) = vrcp.f32 v20  }
0x7b: {  	(erf) = vpow2.f32 v24;
	v24 =	vadd.f32 $1.000000000e+00, v17  }
0x7c: {  	v8 =	vmul.f32 v29, v8;
	s4 =	sadd.s32 $0x4, s3;
	v20 =	vpop (erf)  }
0x7d: {  	v7 =	vmul.f32 v32, v7;
	s15 =	sadd.s32 $0x1A94, s3;
	v47 =	vadd.f32 $1.000000000e+00, v28;
	v34 =	vadd.s32 s4, v1;
	v29 =	vpop (erf)  }
0x7e: {  	s16 =	sadd.s32 $0xAA4, s3;
	v16 =	vmul.f32 v33, v16;
	[tilespmem:v19+s11+$0x0] =	vst.idx.msk $0xffff, v8;
	v8 =	vadd.s32 s15, v1;
	v48 =	vpop (erf);
	(erf) = vrcp.f32 v24  }
0x7f: {  	[tilespmem:v11+s11+$0x0] =	vst.idx.msk $0xffff, v7;
	v7 =	vadd.s32 s16, v1;
	v35 =	vadd.f32 $1.000000000e+00, v26;
	v24 =	vpop (erf);
	(erf) = vrcp.f32 v47  }
0x80: {  	v9 =	vmul.f32 v22, v9;
	v15 =	vmul.f32 v30, v15;
	v22 =	vpop (erf);
	v49 =	vadd.f32 $1.000000000e+00, v24  }
0x81: {  	s18 =	sadd.s32 $0x1FE4, s3;
	[tilespmem:v25+s11+$0x0] =	vst.idx.msk $0xffff, v31;
	v31 =	vadd.f32 $1.000000000e+00, v27;
	v30 =	vadd.f32 $1.000000000e+00, v48;
	(erf) = vrcp.f32 v35;
	v25 =	vpop (erf)  }
0x82: {  	[tilespmem:v21+s11+$0x0] =	vst.idx.msk $0xffff, v16;
	v21 =	vadd.s32 s18, v1;
	v19 =	vpop (erf);
	(erf) = vrcp.f32 v49  }
0x83: {  	[tilespmem:v10+s11+$0x0] =	vst.idx.msk $0xffff, v9;
	v10 =	vmul.f32 v20, v12;
	(erf) = vrcp.f32 v30;
	v30 =	vadd.f32 $1.000000000e+00, v19  }
0x84: {  	s5 =	sadd.s32 $0x1544, s3;
	[tilespmem:v34+s11+$0x0] =	vst.idx.msk $0xffff, v15;
	v15 =	vmul.f32 v22, v18;
	v11 =	vpop (erf);
	(erf) = vrcp.f32 v31  }
0x85: {  	s19 =	sadd.s32 $0x2534, s3;
	v16 =	vadd.s32 s5, v1;
	[tilespmem:v8+s11+$0x0] =	vst.idx.msk $0xffff, v10;
	v31 =	vpop (erf);
	v8 =	vmul.f32 v11, v23;
	(erf) = vrcp.f32 v30  }
0x86: {  	s20 =	sadd.s32 $0xFF4, s1;
	v20 =	vadd.s32 s19, v1;
	v9 =	vadd.f32 $1.000000000e+00, v29;
	[tilespmem:v7+s11+$0x0] =	vst.idx.msk $0xffff, v15;
	v7 =	vmul.f32 v25, v13;
	v12 =	vpop (erf)  }
0x87: {  	s21 =	sadd.s32 $0x554, s3;
	v22 =	vadd.s32 s20, v1;
	v10 =	vpop (erf);
	[tilespmem:v21+s11+$0x0] =	vst.idx.msk $0xffff, v8;
	v8 =	vmul.f32 v31, v14  }
0x88: {  	s24 =	sadd.s32 $0x4, s1;
	v18 =	vadd.f32 $1.000000000e+00, v12;
	(erf) = vrcp.f32 v9;
	v9 =	vadd.s32 s21, v1;
	v11 =	vpop (erf)  }
0x89: {  	s26 =	sadd.s32 $0x1A94, s1;
	v13 =	vadd.s32 s24, v1;
	v11 =	vmul.f32 v11, v28  }
0x8a: {  	[tilespmem:v16+s11+$0x0] =	vst.idx.msk $0xffff, v7;
	v14 =	vadd.s32 s26, v1;
	v10 =	vmul.f32 v10, v17;
	(erf) = vrcp.f32 v18;
	v7 =	vpop (erf)  }
0x8b: {  	[tilespmem:v20+s11+$0x0] =	vst.idx.msk $0xffff, v8;
	v8 =	vpop (erf)  }
0x8c: {  	s31 =	sadd.s32 $0xAA4, s1;
	[tilespmem:v22+s11+$0x0] =	vst.idx.msk $0xffff, v10;
	v7 =	vmul.f32 v7, v26;
	v16 =	vpop (erf)  }
0x8d: {  	s4 =	sadd.s32 $0x1FE4, s1;
	v15 =	vadd.s32 s31, v1;
	[tilespmem:v9+s11+$0x0] =	vst.idx.msk $0xffff, v11;
	v8 =	vmul.f32 v8, v24;
	v11 =	vpop (erf)  }
0x8e: {  	s5 =	sadd.s32 $0x1544, s1;
	v10 =	vadd.s32 s4, v1;
	[tilespmem:v13+s11+$0x0] =	vst.idx.msk $0xffff, v7;
	v7 =	vmul.f32 v16, v48;
	v13 =	vpop (erf)  }
0x8f: {  	s6 =	sadd.s32 $0x2534, s1;
	v9 =	vadd.s32 s5, v1;
	[tilespmem:v14+s11+$0x0] =	vst.idx.msk $0xffff, v8;
	v8 =	vmul.f32 v13, v19  }
0x90: {  	s7 =	sadd.s32 $0x554, s1;
	v17 =	vadd.s32 s6, v1  }
0x91: {  	v16 =	vadd.s32 s7, v1  }
0x92: {  	v11 =	vmul.f32 v11, v27;
	[tilespmem:v15+s11+$0x0] =	vst.idx.msk $0xffff, v7;
	v7 =	vpop (erf)  }
0x93: {  	[tilespmem:v10+s11+$0x0] =	vst.idx.msk $0xffff, v8;
	v7 =	vmul.f32 v7, v29;
	v8 =	vpop (erf)  }
0x94: {  	[tilespmem:v9+s11+$0x0] =	vst.idx.msk $0xffff, v11;
	v8 =	vmul.f32 v8, v12  }
0x95: {  	[tilespmem:v17+s11+$0x0] =	vst.idx.msk $0xffff, v7  }
0x96: {  	[tilespmem:v16+s11+$0x0] =	vst.idx.msk $0xffff, v8  }
0x97: {  	s24 =	sshrl.u32 s9, $0x3;
	[dreg:$0xe] =	wrdreg s9;
	s9 =	simm.s32 $0x20  }
0x98: {  	v9 =	vld [tilespmem:s9+$0x10]  }
0x99: {  	v10 =	vld [tilespmem:s9+$0xFFFFFFE0]  }
0x9a: {  	v11 =	vld [tilespmem:s9+$0x0]  }
0x9b: {  	v12 =	vld [tilespmem:s9+$0xFFFFFFF0];
	_ =	sdelay $0x1  }
0x9c: {  	v9 =	vmul.f32 $1.442695020e+00, v9  }
0x9d: {  	v10 =	vmul.f32 $1.442695020e+00, v10  }
0x9e: {  	(erf) = vpow2.f32 v9;
	v9 =	vmul.f32 $1.442695020e+00, v11  }
0x9f: {  	(erf) = vpow2.f32 v10;
	v10 =	vmul.f32 $1.442695020e+00, v12  }
0xa0: {  	(erf) = vpow2.f32 v9  }
0xa1: {  	(erf) = vpow2.f32 v10;
	_ =	sdelay $0x5  }
0xa2: {  	v9 =	vpop (erf)  }
0xa3: {  	v10 =	vpop (erf)  }
0xa4: {  	v11 =	vadd.f32 $1.000000000e+00, v9;
	v12 =	vpop (erf)  }
0xa5: {  	v13 =	vadd.f32 $1.000000000e+00, v10;
	v14 =	vpop (erf)  }
0xa6: {  	(erf) = vrcp.f32 v11;
	v11 =	vadd.f32 $1.000000000e+00, v14  }
0xa7: {  	v15 =	vadd.f32 $1.000000000e+00, v12;
	(erf) = vrcp.f32 v13  }
0xa8: {  	(erf) = vrcp.f32 v11  }
0xa9: {  	(erf) = vrcp.f32 v15;
	_ =	sdelay $0x4  }
0xaa: {  	s10 =	simm.s32 $0x60  }
0xab: {  	s12 =	sadd.s32 $0x0, s23;
	v13 =	vld [tilespmem:s10+$0x10];
	v11 =	vpop (erf)  }
0xac: {  	s6 =	sadd.s32 $0x20, s12;
	v15 =	vpop (erf)  }
0xad: {  	v16 =	vor.u32 s6, v0;
	v18 =	vpop (erf)  }
0xae: {  	s13 =	sadd.s32 $0x10, s12;
	v16 =	vand.u32 $0x3F, v16;
	v17 =	vld [tilespmem:s10+$0xFFFFFFE0];
	v19 =	vpop (erf)  }
0xaf: {  	s28 =	simm.s32 $0xAA0;
	v20 =	vor.u32 s13, v0;
	v21 =	vld [tilespmem:s10+$0x0];
	v16 =	vcvt.s32.f32 v16;
	v12 =	vmul.f32 v19, v12  }
0xb0: {  	v22 =	vadd.s32 s28, v1;
	v13 =	vmul.f32 $1.442695020e+00, v13;
	v19 =	vand.u32 $0x3F, v20;
	v20 =	vld [tilespmem:s10+$0xFFFFFFF0]  }
0xb1: {  	v12 =	vadd.f32 v16, v12  }
0xb2: {  	(erf) = vpow2.f32 v13;
	v13 =	vmul.f32 v18, v14  }
0xb3: {  	v16 =	vmul.f32 $1.442695020e+00, v17;
	v12 =	vmul.f32 $8.000000000e+00, v12  }
0xb4: {  	s16 =	simm.s32 $0x550;
	s15 =	simm.s32 $0x20;
	v14 =	vmul.f32 $1.442695020e+00, v21;
	v19 =	vcvt.s32.f32 v19  }
0xb5: {  	s7 =	sand.u32 $0xE0, s15;
	(erf) = vpow2.f32 v16;
	v16 =	vadd.s32 s16, v1;
	v17 =	vmul.f32 $1.442695020e+00, v20;
	[tilespmem:v22+s11+$0x0] =	vst.idx.msk $0xffff, v12  }
0xb6: {  	s19 =	simm.s32 $0x0;
	v10 =	vmul.f32 v15, v10;
	v13 =	vadd.f32 v19, v13;
	(erf) = vpow2.f32 v14;
	v12 =	vld [tilespmem:s7+$0x100]  }
0xb7: {  	v14 =	vadd.s32 s19, v1;
	(erf) = vpow2.f32 v17  }
0xb8: {  	v10 =	vadd.f32 v2, v10;
	v13 =	vmul.f32 $8.000000000e+00, v13  }
0xb9: {  	s18 =	simm.s32 $0x10  }
0xba: {  	s5 =	sand.u32 $0xD0, s18;
	v10 =	vmul.f32 $8.000000000e+00, v10;
	[tilespmem:v16+s11+$0x0] =	vst.idx.msk $0xffff, v13  }
0xbb: {  	s8 =	simm.s32 $0x0;
	s26 =	sand.u32 $0xE, s0;
	s0 =	simm.s32 $0xFF0;
	v9 =	vmul.f32 v11, v9;
	v13 =	vld [tilespmem:s5+$0x100];
	v12 =	vmul.f32 $1.442695020e+00, v12  }
0xbc: {  	s8 =	sand.u32 $0xC0, s8;
	[tilespmem:v14+s11+$0x0] =	vst.idx.msk $0xffff, v10;
	v10 =	vadd.s32 s0, v1  }
0xbd: {  	v9 =	vadd.f32 v6, v9;
	v11 =	vpop (erf);
	(erf) = vpow2.f32 v12;
	v12 =	vld [tilespmem:s8+$0x100]  }
0xbe: {  	v15 =	vmov s12;
	v17 =	vadd.f32 $1.000000000e+00, v11;
	v21 =	vpop (erf)  }
0xbf: {  	s20 =	sadd.s32 $0x30, s12;
	v15 =	vshra.s32 v15, $0x6;
	v9 =	vmul.f32 $8.000000000e+00, v9;
	v18 =	vadd.f32 $1.000000000e+00, v21;
	v22 =	vpop (erf)  }
0xc0: {  	s21 =	simm.s32 $0x30;
	(erf) = vrcp.f32 v17;
	v17 =	vmov s20;
	v13 =	vmul.f32 $1.442695020e+00, v13;
	v23 =	vpop (erf)  }
0xc1: {  	s3 =	simm.f32 $3.000000000e+01;
	p1 =	seq.s32 s24, $0x1;
	s29 =	sand.u32 $0xF0, s21;
	[tilespmem:v10+s11+$0x0] =	vst.idx.msk $0xffff, v9;
	(erf) = vrcp.f32 v18;
	v18 =	vcvt.s32.f32 v15;
	v15 =	vadd.f32 $1.000000000e+00, v23  }
0xc2: {  	p2 =	seq.s32 s24, $0x0;
	s3 =	simm.s32 @!p1 $0x41B80000;
	v17 =	vshra.s32 v17, $0x6;
	(erf) = vpow2.f32 v13;
	v13 =	vld [tilespmem:s29+$0x100];
	v12 =	vmul.f32 $1.442695020e+00, v12  }
0xc3: {  	s31 =	sadd.s32 $0x40, s23;
	s3 =	simm.s32 @p2 $0x41500000;
	v10 =	vcvt.s32.f32 v17;
	v17 =	vadd.f32 $1.000000000e+00, v22;
	(erf) = vrcp.f32 v15  }
0xc4: {  	v7 =	vmov s3;
	s3 =	sadd.s32 $0x30, s31;
	(erf) = vpow2.f32 v12  }
0xc5: {  	s1 =	simm.f32 $1.600000000e+01;
	s10 =	simm.s32 $0xA0;
	(erf) = vrcp.f32 v17;
	v17 =	vmov s3  }
0xc6: {  	v36 =	vadd.s32 s28, v3;
	s1 =	simm.s32 @!p1 $0x42040000;
	v19 =	vld [tilespmem:s10+$0x10];
	v16 =	vmov s6;
	s6 =	sadd.s32 $0x10, s31;
	v17 =	vshra.s32 v17, $0x6  }
0xc7: {  	s1 =	simm.s32 @p2 $0x41200000;
	v27 =	vmov s6;
	v15 =	vmov s31;
	v13 =	vmul.f32 $1.442695020e+00, v13  }
0xc8: {  	v37 =	vadd.s32 s16, v3;
	v8 =	vmov s1;
	v15 =	vshra.s32 v15, $0x6;
	v26 =	vpop (erf)  }
0xc9: {  	s12 =	sadd.s32 $0x80, s23;
	v28 =	vld [tilespmem:s10+$0xFFFFFFE0];
	v20 =	vcvt.s32.f32 v17;
	(erf) = vpow2.f32 v13;
	v13 =	vadd.f32 $1.000000000e+00, v26;
	v17 =	vpop (erf)  }
0xca: {  	v30 =	vmov s12;
	v24 =	vcvt.s32.f32 v15;
	v15 =	vshrl.u32 v27, $0x6;
	v27 =	vpop (erf)  }
0xcb: {  	v19 =	vmul.f32 $1.442695020e+00, v19;
	v16 =	vshrl.u32 v16, $0x6;
	v11 =	vmul.f32 v17, v11;
	v17 =	vpop (erf)  }
0xcc: {  	s9 =	sadd.s32 $0x20, s31;
	v14 =	vmov s13;
	v29 =	vbroadcast v18, $0x0;
	v18 =	vadd.f32 $1.000000000e+00, v17  }
0xcd: {  	v16 =	vcvt.s32.f32 v16;
	v12 =	vor.u32 s9, v0;
	(erf) = vrcp.f32 v13;
	v13 =	vpop (erf)  }
0xce: {  	v50 =	vld [tilespmem:s10+$0x0];
	s13 =	sadd.s32 $0x10, s12;
	v12 =	vand.u32 $0x3F, v12;
	v51 =	vpop (erf);
	(erf) = vrcp.f32 v18;
	v18 =	vmul.f32 $1.442695020e+00, v28  }
0xcf: {  	v31 =	vor.u32 s13, v0;
	v12 =	vcvt.s32.f32 v12;
	v52 =	vpop (erf);
	(erf) = vpow2.f32 v19  }
0xd0: {  	s15 =	sadd.s32 $0x20, s12;
	v28 =	vadd.f32 $1.000000000e+00, v51;
	(erf) = vpow2.f32 v18;
	v18 =	vmul.f32 v52, v22  }
0xd1: {  	v54 =	vmov s13;
	v9 =	vshrl.u32 v14, $0x6;
	v22 =	vor.u32 s15, v0  }
0xd2: {  	(erf) = vrcp.f32 v28;
	v34 =	vadd.f32 v12, v18;
	v18 =	vand.u32 $0x3F, v22;
	v22 =	vld [tilespmem:s10+$0xFFFFFFF0]  }
0xd3: {  	s1 =	simm.s32 $0x1FE0;
	v14 =	vor.u32 s6, v0;
	v13 =	vmul.f32 v13, v23;
	v23 =	vmul.f32 $1.442695020e+00, v50  }
0xd4: {  	v25 =	vand.u32 $0x3F, v14;
	v19 =	vand.u32 $0x3F, v31;
	v31 =	vadd.s32 s1, v1  }
0xd5: {  	v9 =	vcvt.s32.f32 v9;
	v25 =	vcvt.s32.f32 v25;
	v53 =	vpop (erf);
	v28 =	vmov s15  }
0xd6: {  	v12 =	vshrl.u32 v28, $0x6;
	v28 =	vadd.f32 $1.000000000e+00, v53;
	(erf) = vpow2.f32 v23  }
0xd7: {  	v14 =	vmov s9;
	s15 =	simm.s32 $0x1A90;
	v23 =	vpop (erf);
	v34 =	vmul.f32 $8.000000000e+00, v34;
	v22 =	vmul.f32 $1.442695020e+00, v22  }
0xd8: {  	s18 =	simm.s32 $0x60;
	s6 =	simm.s32 $0x2530;
	v55 =	vadd.s32 s15, v1;
	v23 =	vmul.f32 v23, v26;
	(erf) = vrcp.f32 v28;
	v26 =	vpop (erf)  }
0xd9: {  	v60 =	vadd.s32 s6, v1;
	v14 =	vshrl.u32 v14, $0x6;
	v25 =	vadd.f32 v25, v13;
	s10 =	sand.u32 $0xE0, s18;
	[tilespmem:v31+s11+$0x0] =	vst.idx.msk $0xffff, v34;
	v56 =	vpop (erf)  }
0xda: {  	s3 =	simm.s32 $0x1540;
	v21 =	vmul.f32 v27, v21;
	v16 =	vadd.f32 v16, v23;
	v31 =	vld [tilespmem:s10+$0x100];
	v26 =	vmul.f32 v26, v17;
	v17 =	vpop (erf)  }
0xdb: {  	v27 =	vadd.s32 s3, v1;
	v25 =	vmul.f32 $8.000000000e+00, v25;
	(erf) = vpow2.f32 v22;
	v22 =	vpop (erf)  }
0xdc: {  	s20 =	simm.s32 $0x50;
	v21 =	vadd.f32 v2, v21;
	v16 =	vmul.f32 $8.000000000e+00, v16;
	v22 =	vmul.f32 v22, v51  }
0xdd: {  	v10 =	vbroadcast v10, $0x0;
	s9 =	sand.u32 $0xD0, s20;
	[tilespmem:v55+s11+$0x0] =	vst.idx.msk $0xffff, v25;
	v9 =	vadd.f32 v9, v26;
	v26 =	vadd.s32 s19, v3  }
0xde: {  	v24 =	vbroadcast v24, $0x0;
	v21 =	vmul.f32 $8.000000000e+00, v21;
	v25 =	vld [tilespmem:s9+$0x100];
	[tilespmem:v36+s11+$0x0] =	vst.idx.msk $0xffff, v16;
	v16 =	vadd.f32 v22, v29  }
0xdf: {  	v11 =	vadd.f32 v6, v11;
	v31 =	vmul.f32 $1.442695020e+00, v31;
	v9 =	vmul.f32 $8.000000000e+00, v9  }
0xe0: {  	v20 =	vbroadcast v20, $0x0;
	[tilespmem:v27+s11+$0x0] =	vst.idx.msk $0xffff, v21;
	v57 =	vadd.f32 $1.000000000e+00, v56;
	v23 =	vpop (erf);
	v16 =	vmul.f32 $8.000000000e+00, v16  }
0xe1: {  	v59 =	vmul.f32 $8.000000000e+00, v11;
	v58 =	vld [tilespmem:s7+$0x200];
	v27 =	vpop (erf);
	(erf) = vpow2.f32 v31;
	[tilespmem:v37+s11+$0x0] =	vst.idx.msk $0xffff, v9;
	v9 =	vadd.f32 $1.000000000e+00, v17  }
0xe2: {  	v13 =	vshrl.u32 v54, $0x6;
	v27 =	vmul.f32 v27, v53;
	(erf) = vrcp.f32 v57;
	v31 =	vld [tilespmem:s5+$0x200];
	[tilespmem:v26+s11+$0x0] =	vst.idx.msk $0xffff, v16  }
0xe3: {  	s21 =	simm.s32 $0x40;
	s4 =	sadd.s32 $0x30, s12;
	v25 =	vmul.f32 $1.442695020e+00, v25;
	(erf) = vrcp.f32 v9;
	v26 =	vadd.s32 s0, v3;
	v11 =	vld [tilespmem:s8+$0x200]  }
0xe4: {  	s12 =	sand.u32 $0xC0, s21;
	v28 =	vmov s4;
	v22 =	vshra.s32 v30, $0x6;
	v9 =	vadd.f32 v27, v10  }
0xe5: {  	v28 =	vshra.s32 v28, $0x6;
	v21 =	vcvt.s32.f32 v22;
	v22 =	vld [tilespmem:s12+$0x100];
	(erf) = vpow2.f32 v25  }
0xe6: {  	v34 =	vadd.s32 s28, v4;
	v27 =	vmul.f32 $1.442695020e+00, v58;
	v62 =	vmul.f32 $8.000000000e+00, v9  }
0xe7: {  	v30 =	vadd.f32 $1.000000000e+00, v23;
	v29 =	vpop (erf);
	v16 =	vcvt.s32.f32 v28;
	v31 =	vmul.f32 $1.442695020e+00, v31  }
0xe8: {  	s31 =	simm.s32 $0x70;
	(erf) = vpow2.f32 v27;
	v61 =	vadd.f32 $1.000000000e+00, v29;
	[tilespmem:v26+s11+$0x0] =	vst.idx.msk $0xffff, v62;
	v28 =	vmul.f32 $1.442695020e+00, v11  }
0xe9: {  	[tilespmem:v60+s11+$0x0] =	vst.idx.msk $0xffff, v59;
	s4 =	sand.u32 $0xF0, s31;
	v10 =	vadd.s32 s19, v5;
	v25 =	vadd.s32 s0, v4;
	(erf) = vpow2.f32 v31;
	v35 =	vld [tilespmem:s29+$0x200]  }
0xea: {  	v36 =	vld [tilespmem:s4+$0x100];
	v9 =	vadd.s32 s0, v5;
	v63 =	vmul.f32 $1.442695020e+00, v22;
	v27 =	vpop (erf);
	(erf) = vrcp.f32 v61  }
0xeb: {  	s30 =	simm.s32 $0x80;
	s13 =	simm.s32 $0x3A70;
	s20 =	simm.s32 $0xE0;
	v31 =	vadd.s32 s19, v4;
	v11 =	vadd.s32 s16, v5;
	v22 =	vpop (erf);
	(erf) = vpow2.f32 v28  }
0xec: {  	s18 =	simm.s32 $0x8;
	s0 =	simm.s32 $0x3A70;
	s19 =	simm.s32 $0xC0;
	v33 =	vadd.f32 $1.000000000e+00, v27;
	v22 =	vmul.f32 v22, v56;
	v28 =	vpop (erf);
	(erf) = vpow2.f32 v63  }
.LBB2_9:
0xed: {  	s21 =	sadd.s32 s19, s23;
	v37 =	vld [tilespmem:s20+$0x10];
	s18 =	sadd.s32 $0x4, s18;
	v32 =	vcvt.s32.f32 v15;
	v38 =	vcvt.s32.f32 v14;
	v39 =	vadd.s32 s16, v4;
	v14 =	vmovc v12;
	v15 =	vmovc v13;
	s16 =	smov.u32 s15  }
0xee: {  	v40 =	vmov s21;
	s15 =	sadd.s32 $0x10, s21;
	p1 =	slt.u32 s18, $0xC;
	(erf) = vrcp.f32 v30;
	v30 =	vpop (erf);
	v12 =	vmul.f32 $1.442695020e+00, v35  }
0xef: {  	v26 =	vmovc v21;
	s31 =	sadd.s32 $0x20, s21;
	v35 =	vld [tilespmem:s20+$0xFFFFFFE0];
	v44 =	vor.u32 s15, v0;
	v41 =	vadd.f32 $1.000000000e+00, v30;
	v36 =	vmul.f32 $1.442695020e+00, v36  }
0xf0: {  	v43 =	vor.u32 s31, v0;
	v21 =	vand.u32 $0x3F, v44;
	(erf) = vpow2.f32 v12  }
0xf1: {  	v12 =	vmov s31;
	v42 =	vand.u32 $0x3F, v43;
	(erf) = vpow2.f32 v36;
	v13 =	vpop (erf)  }
0xf2: {  	v12 =	vshrl.u32 v12, $0x6;
	(erf) = vrcp.f32 v33;
	v44 =	vmul.f32 v13, v8;
	v13 =	vpop (erf)  }
0xf3: {  	v36 =	vmov s15;
	v43 =	vpop (erf);
	(erf) = vrcp.f32 v41;
	v41 =	vmul.f32 v13, v8  }
0xf4: {  	v45 =	vcvt.s32.f32 v19;
	v13 =	vshrl.u32 v36, $0x6;
	v36 =	vld [tilespmem:s20+$0x0];
	v29 =	vmul.f32 v43, v29;
	[tilespmem:v34+s11+$0x0] =	vst.idx.msk $0xffff, v44;
	v33 =	vpop (erf)  }
0xf5: {  	v37 =	vmul.f32 $1.442695020e+00, v37;
	v34 =	vshra.s32 v40, $0x6;
	v40 =	vld [tilespmem:s20+$0xFFFFFFF0];
	v43 =	vpop (erf);
	v33 =	vmul.f32 v33, v8;
	[tilespmem:v39+s11+$0x0] =	vst.idx.msk $0xffff, v41  }
0xf6: {  	s15 =	sadd.s32 $0x30, s21;
	v19 =	vmovc v21;
	v35 =	vmul.f32 $1.442695020e+00, v35;
	v29 =	vadd.f32 v45, v29;
	v44 =	vadd.f32 $1.000000000e+00, v43;
	v41 =	vld [tilespmem:s7+$0x300];
	s7 =	smov.u32 s10  }
0xf7: {  	v21 =	vmov s15;
	v45 =	vcvt.s32.f32 v18;
	(erf) = vpow2.f32 v37;
	v18 =	vpop (erf);
	[tilespmem:v31+s11+$0x0] =	vst.idx.msk $0xffff, v33;
	v33 =	vld [tilespmem:s5+$0x300];
	s5 =	smov.u32 s9  }
0xf8: {  	v31 =	vshra.s32 v21, $0x6;
	s9 =	sadd.s32 $0xFFFFFAB0, s13;
	(erf) = vpow2.f32 v35;
	v21 =	vmul.f32 v18, v23;
	v23 =	vld [tilespmem:s8+$0x300];
	v18 =	vmovc v42;
	s8 =	smov.u32 s12  }
0xf9: {  	v35 =	vmul.f32 $1.442695020e+00, v36;
	v36 =	vadd.s32 s9, v1;
	(erf) = vrcp.f32 v44;
	v39 =	vpop (erf)  }
0xfa: {  	v29 =	vmul.f32 $8.000000000e+00, v29;
	v21 =	vadd.f32 v45, v21;
	v37 =	vpop (erf);
	v39 =	vmul.f32 v39, v8  }
0xfb: {  	s15 =	sadd.s32 $0xFFFFF560, s13;
	v40 =	vmul.f32 $1.442695020e+00, v40;
	v42 =	vadd.f32 $1.000000000e+00, v37;
	v44 =	vpop (erf);
	v41 =	vmul.f32 $1.442695020e+00, v41  }
0xfc: {  	(erf) = vpow2.f32 v35;
	v35 =	vadd.s32 s15, v1;
	v27 =	vmul.f32 v44, v27;
	v44 =	vpop (erf);
	[tilespmem:v25+s11+$0x0] =	vst.idx.msk $0xffff, v39  }
0xfd: {  	v21 =	vmul.f32 $8.000000000e+00, v21;
	v25 =	vadd.s32 s28, v5;
	s28 =	smov.u32 s1;
	s1 =	smov.u32 s9;
	v39 =	vld [tilespmem:s29+$0x300];
	(erf) = vpow2.f32 v41;
	s29 =	smov.u32 s4  }
0xfe: {  	s4 =	sadd.s32 $0x20, s30;
	v23 =	vmul.f32 $1.442695020e+00, v23;
	v27 =	vadd.f32 v38, v27;
	(erf) = vrcp.f32 v42  }
0xff: {  	s10 =	sand.u32 $0xE0, s4;
	[tilespmem:v36+s11+$0x0] =	vst.idx.msk $0xffff, v21;
	v36 =	vadd.s32 s16, v3;
	v21 =	vmul.f32 v44, v30;
	v30 =	vmul.f32 $1.442695020e+00, v33  }
0x100: {  	s21 =	sadd.s32 $0xFFFFF010, s13;
	v41 =	vadd.s32 s28, v3;
	v44 =	vmul.f32 v28, v17;
	v38 =	vpop (erf);
	v33 =	vld [tilespmem:s10+$0x100];
	(erf) = vpow2.f32 v23  }
0x101: {  	v42 =	vadd.s32 s21, v1;
	v17 =	vpop (erf);
	[tilespmem:v35+s11+$0x0] =	vst.idx.msk $0xffff, v29;
	v21 =	vadd.f32 v32, v21;
	(erf) = vpow2.f32 v30  }
0x102: {  	s4 =	sadd.s32 $0x10, s30;
	v30 =	vadd.f32 v2, v44;
	(erf) = vpow2.f32 v40;
	v28 =	vpop (erf);
	v29 =	vmul.f32 $1.442695020e+00, v39  }
0x103: {  	s9 =	sand.u32 $0xD0, s4;
	v27 =	vmul.f32 $8.000000000e+00, v27;
	v32 =	vadd.f32 $1.000000000e+00, v38;
	v44 =	vmul.f32 v28, v43  }
0x104: {  	v40 =	vadd.s32 s3, v3;
	v35 =	vmul.f32 $8.000000000e+00, v30;
	v39 =	vld [tilespmem:s9+$0x100];
	(erf) = vpow2.f32 v29  }
0x105: {  	v43 =	vmul.f32 $8.000000000e+00, v21;
	v29 =	vadd.f32 $1.000000000e+00, v17;
	v23 =	vpop (erf);
	v33 =	vmul.f32 $1.442695020e+00, v33;
	[tilespmem:v41+s11+$0x0] =	vst.idx.msk $0xffff, v27  }
0x106: {  	v21 =	vcvt.s32.f32 v34;
	v24 =	vadd.f32 v44, v24;
	v30 =	vadd.f32 $1.000000000e+00, v23;
	[tilespmem:v42+s11+$0x0] =	vst.idx.msk $0xffff, v35;
	v27 =	vld [tilespmem:s7+$0x200];
	v28 =	vpop (erf)  }
0x107: {  	(erf) = vpow2.f32 v33;
	[tilespmem:v36+s11+$0x0] =	vst.idx.msk $0xffff, v43;
	v33 =	vadd.s32 s6, v3;
	v34 =	vpop (erf);
	v28 =	vmul.f32 v28, v7  }
0x108: {  	v22 =	vadd.f32 v6, v22;
	s12 =	sand.u32 $0xC0, s30;
	v24 =	vmul.f32 $8.000000000e+00, v24;
	(erf) = vrcp.f32 v32;
	v32 =	vld [tilespmem:s5+$0x200]  }
0x109: {  	s13 =	sadd.s32 $0x1540, s13;
	v34 =	vmul.f32 v34, v37;
	v35 =	vld [tilespmem:s12+$0x100];
	v36 =	vmul.f32 $1.442695020e+00, v39;
	v39 =	vadd.s32 s0, v1;
	[tilespmem:v25+s11+$0x0] =	vst.idx.msk $0xffff, v28;
	v25 =	vpop (erf)  }
0x10a: {  	(erf) = vrcp.f32 v29;
	[tilespmem:v40+s11+$0x0] =	vst.idx.msk $0xffff, v24;
	v24 =	vmul.f32 v25, v7;
	v25 =	vpop (erf)  }
0x10b: {  	v22 =	vmul.f32 $8.000000000e+00, v22;
	v20 =	vadd.f32 v34, v20;
	v29 =	vpop (erf);
	v28 =	vld [tilespmem:s8+$0x200];
	v25 =	vmul.f32 v25, v7  }
0x10c: {  	v27 =	vmul.f32 $1.442695020e+00, v27;
	v34 =	vadd.f32 $1.000000000e+00, v29;
	(erf) = vpow2.f32 v36;
	[tilespmem:v10+s11+$0x0] =	vst.idx.msk $0xffff, v24  }
0x10d: {  	v20 =	vmul.f32 $8.000000000e+00, v20;
	v24 =	vmul.f32 $1.442695020e+00, v32;
	v32 =	vadd.s32 s6, v5;
	[tilespmem:v11+s11+$0x0] =	vst.idx.msk $0xffff, v25;
	v10 =	vpop (erf)  }
0x10e: {  	v25 =	vadd.s32 s6, v4;
	s6 =	smov.u32 s0;
	s0 =	smov.u32 s13;
	v37 =	vmul.f32 $1.442695020e+00, v35;
	[tilespmem:v39+s11+$0x0] =	vst.idx.msk $0xffff, v22;
	v22 =	vmul.f32 v10, v7  }
.Ltmp5:
0x10f: {  	s4 =	sadd.s32 $0x30, s30;
	s30 =	smov.u32 s19;
	v39 =	vcvt.s32.f32 v31;
	v10 =	vadd.s32 s3, v5;
	[tilespmem:v33+s11+$0x0] =	vst.idx.msk $0xffff, v20;
	(erf) = vpow2.f32 v27;
	(pc) =	sbr.rel @p1 .LBB2_9-.Ltmp5, $4  }
0x110: {  	s4 =	sand.u32 $0xF0, s4;
	v11 =	vadd.s32 s16, v5;
	v27 =	vpop (erf);
	v40 =	vmul.f32 $1.442695020e+00, v28;
	v35 =	vld [tilespmem:s29+$0x200];
	(erf) = vpow2.f32 v24;
	[tilespmem:v9+s11+$0x0] =	vst.idx.msk $0xffff, v22  }
0x111: {  	v20 =	vbroadcast v16, $0x0;
	(erf) = vrcp.f32 v34;
	v9 =	vpop (erf);
	v33 =	vadd.f32 $1.000000000e+00, v27;
	v36 =	vld [tilespmem:s4+$0x100]  }
0x112: {  	v31 =	vadd.s32 s3, v4;
	s3 =	smov.u32 s21;
	v16 =	vmovc v39;
	v22 =	vmul.f32 v9, v38;
	(erf) = vpow2.f32 v40;
	v9 =	vmovc v32  }
0x113: {  	s20 =	sadd.s32 $0x40, s20;
	s19 =	sadd.s32 $0x40, s19;
	v24 =	vbroadcast v26, $0x0;
	v34 =	vadd.s32 s28, v4;
	v28 =	vpop (erf);
	(erf) = vpow2.f32 v37  }
0x114: {  	_ = 	snop  }
0x115: {  	v26 =	vmul.f32 $1.442695020e+00, v35  }
0x116: {  	(erf) = vrcp.f32 v30;
	v46 =	vmul.f32 $1.442695020e+00, v36  }
0x117: {  	v32 =	vpop (erf);
	(erf) = vpow2.f32 v26  }
0x118: {  	(erf) = vpow2.f32 v46;
	v47 =	vpop (erf)  }
0x119: {  	v26 =	vmul.f32 v47, v8  }
0x11a: {  	v48 =	vpop (erf);
	(erf) = vrcp.f32 v33  }
0x11b: {  	[tilespmem:v34+s11+$0x0] =	vst.idx.msk $0xffff, v26  }
0x11c: {  	v49 =	vpop (erf);
	v50 =	vld [tilespmem:s7+$0x300]  }
0x11d: {  	v52 =	vpop (erf)  }
0x11e: {  	v37 =	vadd.s32 s16, v4;
	v51 =	vadd.f32 $1.000000000e+00, v32;
	v53 =	vpop (erf)  }
0x11f: {  	v19 =	vcvt.s32.f32 v19;
	v18 =	vcvt.s32.f32 v18;
	v54 =	vpop (erf)  }
0x120: {  	(erf) = vrcp.f32 v51;
	v30 =	vmul.f32 v48, v8;
	v38 =	vadd.f32 $1.000000000e+00, v53;
	v39 =	vpop (erf)  }
0x121: {  	v35 =	vmul.f32 v52, v8;
	v55 =	vpop (erf);
	v33 =	vmul.f32 $1.442695020e+00, v50  }
0x122: {  	s7 =	sadd.s32 $0xFFFFFAB0, s13;
	v23 =	vmul.f32 v54, v23;
	(erf) = vrcp.f32 v38;
	v56 =	vadd.f32 $1.000000000e+00, v55  }
0x123: {  	v14 =	vcvt.s32.f32 v14;
	[tilespmem:v37+s11+$0x0] =	vst.idx.msk $0xffff, v30;
	v58 =	vadd.s32 s7, v1;
	v61 =	vpop (erf);
	(erf) = vpow2.f32 v33  }
0x124: {  	v60 =	vld [tilespmem:s5+$0x300];
	[tilespmem:v31+s11+$0x0] =	vst.idx.msk $0xffff, v35;
	v18 =	vadd.f32 v18, v23;
	v23 =	vmul.f32 v61, v27;
	(erf) = vrcp.f32 v56  }
0x125: {  	v17 =	vmul.f32 v28, v17;
	v26 =	vmul.f32 v49, v29;
	s5 =	sadd.s32 $0xFFFFF560, s13;
	v57 =	vld [tilespmem:s8+$0x300]  }
0x126: {  	v62 =	vadd.s32 s5, v1;
	v59 =	vmul.f32 v39, v8;
	v14 =	vadd.f32 v14, v23  }
0x127: {  	v63 =	vadd.s32 s1, v3;
	v19 =	vadd.f32 v19, v26;
	v18 =	vmul.f32 $8.000000000e+00, v18  }
0x128: {  	s31 =	sadd.s32 $0x20, s30;
	v17 =	vadd.f32 v2, v17;
	[tilespmem:v25+s11+$0x0] =	vst.idx.msk $0xffff, v59;
	v14 =	vmul.f32 $8.000000000e+00, v14  }
0x129: {  	v15 =	vcvt.s32.f32 v15;
	v19 =	vmul.f32 $8.000000000e+00, v19;
	s8 =	sand.u32 $0xE0, s31;
	v25 =	vld [tilespmem:s29+$0x300];
	[tilespmem:v58+s11+$0x0] =	vst.idx.msk $0xffff, v18  }
0x12a: {  	v40 =	vadd.s32 s15, v3;
	s20 =	sadd.s32 $0xFFFFF010, s13;
	s21 =	sadd.s32 $0x10, s30;
	v17 =	vmul.f32 $8.000000000e+00, v17;
	v37 =	vpop (erf);
	v38 =	vmul.f32 $1.442695020e+00, v57;
	v42 =	vld [tilespmem:s8+$0x100]  }
0x12b: {  	v43 =	vadd.s32 s20, v1;
	s13 =	sand.u32 $0xD0, s21;
	v41 =	vmul.f32 $1.442695020e+00, v60;
	[tilespmem:v62+s11+$0x0] =	vst.idx.msk $0xffff, v19;
	v39 =	vmul.f32 v37, v32;
	v44 =	vpop (erf)  }
0x12c: {  	v47 =	vadd.s32 s3, v3;
	v46 =	vld [tilespmem:s13+$0x100];
	(erf) = vpow2.f32 v38;
	v19 =	vmul.f32 v44, v53;
	[tilespmem:v63+s11+$0x0] =	vst.idx.msk $0xffff, v14;
	v14 =	vpop (erf)  }
0x12d: {  	v52 =	vadd.s32 s6, v3;
	v15 =	vadd.f32 v15, v39;
	(erf) = vpow2.f32 v41;
	v27 =	vld [tilespmem:s10+$0x200];
	v48 =	vpop (erf)  }
0x12e: {  	v45 =	vmul.f32 $1.442695020e+00, v25;
	v49 =	vadd.f32 v19, v24;
	v50 =	vmul.f32 v48, v55  }
0x12f: {  	v15 =	vmul.f32 $8.000000000e+00, v15;
	v53 =	vadd.s32 s0, v1;
	v51 =	vmul.f32 $1.442695020e+00, v42  }
0x130: {  	(erf) = vpow2.f32 v45;
	v18 =	vmul.f32 $8.000000000e+00, v49;
	v19 =	vadd.f32 v50, v20  }
0x131: {  	v54 =	vadd.f32 v6, v22;
	[tilespmem:v40+s11+$0x0] =	vst.idx.msk $0xffff, v15;
	(erf) = vpow2.f32 v51;
	v55 =	vmul.f32 $1.442695020e+00, v46  }
0x132: {  	v56 =	vld [tilespmem:s9+$0x200];
	[tilespmem:v47+s11+$0x0] =	vst.idx.msk $0xffff, v18;
	v57 =	vmul.f32 $1.442695020e+00, v27;
	v19 =	vmul.f32 $8.000000000e+00, v19  }
0x133: {  	s18 =	sand.u32 $0xC0, s30;
	[tilespmem:v43+s11+$0x0] =	vst.idx.msk $0xffff, v17;
	v15 =	vmul.f32 $8.000000000e+00, v54;
	v58 =	vld [tilespmem:s12+$0x200];
	(erf) = vpow2.f32 v55  }
0x134: {  	s19 =	sadd.s32 $0x30, s30;
	v59 =	vld [tilespmem:s18+$0x100];
	(erf) = vpow2.f32 v57;
	[tilespmem:v52+s11+$0x0] =	vst.idx.msk $0xffff, v19  }
0x135: {  	s19 =	sand.u32 $0xF0, s19;
	[tilespmem:v53+s11+$0x0] =	vst.idx.msk $0xffff, v15;
	v60 =	vld [tilespmem:s4+$0x200]  }
0x136: {  	v61 =	vld [tilespmem:s19+$0x100]  }
0x137: {  	v62 =	vmul.f32 $1.442695020e+00, v56  }
0x138: {  	v22 =	vpop (erf);
	v17 =	vmul.f32 $1.442695020e+00, v58  }
0x139: {  	v23 =	vpop (erf);
	v20 =	vmul.f32 $1.442695020e+00, v59;
	(erf) = vpow2.f32 v62  }
0x13a: {  	v19 =	vpop (erf);
	(erf) = vpow2.f32 v17;
	v15 =	vmul.f32 $1.442695020e+00, v60  }
0x13b: {  	v33 =	vadd.s32 s1, v4;
	v18 =	vmul.f32 $1.442695020e+00, v61;
	v63 =	vpop (erf);
	(erf) = vpow2.f32 v20  }
0x13c: {  	v34 =	vpop (erf);
	(erf) = vpow2.f32 v15  }
0x13d: {  	v35 =	vpop (erf);
	(erf) = vpow2.f32 v18  }
0x13e: {  	v15 =	vmul.f32 v35, v8;
	_ =	sdelay $0x1  }
0x13f: {  	[tilespmem:v33+s11+$0x0] =	vst.idx.msk $0xffff, v15  }
0x140: {  	v15 =	vld [tilespmem:s10+$0x300]  }
0x141: {  	v37 =	vadd.f32 $1.000000000e+00, v63;
	v36 =	vpop (erf)  }
0x142: {  	v38 =	vpop (erf)  }
0x143: {  	v39 =	vadd.f32 $1.000000000e+00, v34;
	(erf) = vrcp.f32 v37;
	v40 =	vpop (erf)  }
0x144: {  	v41 =	vadd.f32 $1.000000000e+00, v40;
	v42 =	vpop (erf)  }
0x145: {  	(erf) = vrcp.f32 v39;
	v15 =	vmul.f32 $1.442695020e+00, v15;
	v43 =	vpop (erf)  }
0x146: {  	(erf) = vrcp.f32 v41;
	v44 =	vadd.f32 $1.000000000e+00, v43  }
0x147: {  	(erf) = vpow2.f32 v15  }
0x148: {  	(erf) = vrcp.f32 v44;
	_ =	sdelay $0x2  }
0x149: {  	v46 =	vadd.s32 s3, v4  }
0x14a: {  	v13 =	vcvt.s32.f32 v13;
	v48 =	vadd.s32 s15, v4;
	v49 =	vpop (erf)  }
0x14b: {  	v12 =	vcvt.s32.f32 v12;
	v50 =	vadd.s32 s6, v4;
	v17 =	vmul.f32 v49, v63  }
0x14c: {  	v47 =	vbroadcast v21, $0x0;
	v52 =	vadd.s32 s7, v3;
	v25 =	vmul.f32 v38, v8;
	v51 =	vpop (erf)  }
0x14d: {  	v18 =	vmul.f32 v36, v8;
	v24 =	vmul.f32 v51, v34;
	v12 =	vadd.f32 v12, v17;
	v53 =	vpop (erf)  }
0x14e: {  	v54 =	vadd.s32 s5, v3;
	[tilespmem:v46+s11+$0x0] =	vst.idx.msk $0xffff, v25;
	v55 =	vmul.f32 v42, v8;
	v27 =	vmul.f32 v53, v40;
	v31 =	vpop (erf)  }
0x14f: {  	v56 =	vadd.s32 s20, v3;
	[tilespmem:v48+s11+$0x0] =	vst.idx.msk $0xffff, v18;
	v58 =	vld [tilespmem:s12+$0x300];
	v13 =	vadd.f32 v13, v24;
	v12 =	vmul.f32 $8.000000000e+00, v12;
	v57 =	vpop (erf)  }
0x150: {  	v45 =	vbroadcast v16, $0x0;
	v60 =	vld [tilespmem:s9+$0x300];
	[tilespmem:v50+s11+$0x0] =	vst.idx.msk $0xffff, v55;
	v20 =	vadd.f32 v27, v47;
	v59 =	vmul.f32 v57, v43  }
0x151: {  	v61 =	vadd.s32 s0, v3;
	v62 =	vld [tilespmem:s4+$0x300];
	v13 =	vmul.f32 $8.000000000e+00, v13;
	[tilespmem:v52+s11+$0x0] =	vst.idx.msk $0xffff, v12  }
0x152: {  	v27 =	vld [tilespmem:s8+$0x200];
	v63 =	vmul.f32 $8.000000000e+00, v20;
	v15 =	vadd.f32 v59, v45  }
0x153: {  	[tilespmem:v54+s11+$0x0] =	vst.idx.msk $0xffff, v13  }
0x154: {  	v29 =	vmul.f32 $1.442695020e+00, v58;
	v13 =	vld [tilespmem:s13+$0x200];
	[tilespmem:v56+s11+$0x0] =	vst.idx.msk $0xffff, v63;
	v28 =	vmul.f32 $8.000000000e+00, v15  }
0x155: {  	v32 =	vmul.f32 $1.442695020e+00, v60;
	v30 =	vld [tilespmem:s18+$0x200]  }
0x156: {  	(erf) = vpow2.f32 v29;
	v33 =	vmul.f32 $1.442695020e+00, v62;
	[tilespmem:v61+s11+$0x0] =	vst.idx.msk $0xffff, v28  }
0x157: {  	(erf) = vpow2.f32 v32;
	v35 =	vmul.f32 $1.442695020e+00, v27;
	v34 =	vld [tilespmem:s19+$0x200]  }
0x158: {  	(erf) = vpow2.f32 v33  }
0x159: {  	v36 =	vmul.f32 $1.442695020e+00, v13;
	(erf) = vpow2.f32 v35  }
0x15a: {  	v37 =	vmul.f32 $1.442695020e+00, v30  }
0x15b: {  	(erf) = vpow2.f32 v36  }
0x15c: {  	(erf) = vpow2.f32 v37;
	v38 =	vmul.f32 $1.442695020e+00, v34;
	_ =	sdelay $0x1  }
0x15d: {  	(erf) = vpow2.f32 v38  }
0x15e: {  	v39 =	vpop (erf)  }
0x15f: {  	v42 =	vadd.s32 s7, v4;
	v40 =	vpop (erf)  }
0x160: {  	v41 =	vpop (erf)  }
0x161: {  	v44 =	vpop (erf)  }
0x162: {  	v43 =	vadd.s32 s20, v4;
	v18 =	vmul.f32 v44, v8  }
0x163: {  	v45 =	vadd.s32 s5, v4;
	v46 =	vpop (erf)  }
0x164: {  	v47 =	vadd.s32 s0, v4;
	[tilespmem:v42+s11+$0x0] =	vst.idx.msk $0xffff, v18;
	v48 =	vpop (erf)  }
0x165: {  	v18 =	vld [tilespmem:s8+$0x300];
	v25 =	vmul.f32 v48, v8  }
0x166: {  	v21 =	vmul.f32 v46, v8;
	v49 =	vpop (erf)  }
0x167: {  	[tilespmem:v43+s11+$0x0] =	vst.idx.msk $0xffff, v25;
	v16 =	vmul.f32 v49, v8  }
0x168: {  	[tilespmem:v45+s11+$0x0] =	vst.idx.msk $0xffff, v21;
	v17 =	vld [tilespmem:s18+$0x300]  }
0x169: {  	v20 =	vld [tilespmem:s13+$0x300];
	[tilespmem:v47+s11+$0x0] =	vst.idx.msk $0xffff, v16  }
0x16a: {  	v18 =	vmul.f32 $1.442695020e+00, v18;
	v16 =	vld [tilespmem:s19+$0x300]  }
0x16b: {  	v50 =	vadd.s32 s28, v5  }
0x16c: {  	(erf) = vpow2.f32 v18  }
0x16d: {  	v14 =	vmul.f32 v14, v7;
	v17 =	vmul.f32 $1.442695020e+00, v17  }
0x16e: {  	v52 =	vmul.f32 v22, v7;
	v51 =	vmul.f32 $1.442695020e+00, v20  }
0x16f: {  	v53 =	vadd.s32 s1, v5;
	(erf) = vpow2.f32 v17;
	v16 =	vmul.f32 $1.442695020e+00, v16  }
0x170: {  	v55 =	vadd.s32 s3, v5;
	[tilespmem:v50+s11+$0x0] =	vst.idx.msk $0xffff, v14;
	v54 =	vmul.f32 v23, v7;
	(erf) = vpow2.f32 v51  }
0x171: {  	[tilespmem:v10+s11+$0x0] =	vst.idx.msk $0xffff, v52;
	v10 =	vmul.f32 v19, v7;
	v56 =	vadd.s32 s15, v5;
	(erf) = vpow2.f32 v16  }
0x172: {  	[tilespmem:v11+s11+$0x0] =	vst.idx.msk $0xffff, v54;
	v11 =	vmul.f32 v31, v7  }
0x173: {  	v57 =	vadd.s32 s6, v5;
	[tilespmem:v9+s11+$0x0] =	vst.idx.msk $0xffff, v10;
	v9 =	vmul.f32 v39, v7  }
0x174: {  	[tilespmem:v53+s11+$0x0] =	vst.idx.msk $0xffff, v11;
	v11 =	vmul.f32 v40, v7  }
0x175: {  	v10 =	vadd.s32 s7, v5;
	[tilespmem:v55+s11+$0x0] =	vst.idx.msk $0xffff, v9;
	v60 =	vpop (erf)  }
0x176: {  	v58 =	vadd.s32 s20, v5;
	v9 =	vmul.f32 v41, v7;
	s28 =	rddreg [dreg:$0x4];
	[tilespmem:v56+s11+$0x0] =	vst.idx.msk $0xffff, v11;
	v11 =	vmul.f32 v60, v7  }
0x177: {  	v59 =	vadd.s32 s5, v5;
	s1 =	sadd.s32 s28, s24  }
0x178: {  	v61 =	vadd.s32 s0, v5;
	[tilespmem:v57+s11+$0x0] =	vst.idx.msk $0xffff, v9;
	s29 =	sshll.u32 s1, $0x4;
	v62 =	vpop (erf)  }
0x179: {  	[dreg:$0xf] =	wrdreg s29;
	v9 =	vmul.f32 v62, v7;
	v63 =	vpop (erf)  }
0x17a: {  	[tilespmem:v10+s11+$0x0] =	vst.idx.msk $0xffff, v11;
	v10 =	vmul.f32 v63, v7;
	v11 =	vpop (erf)  }
0x17b: {  	[tilespmem:v58+s11+$0x0] =	vst.idx.msk $0xffff, v9;
	v9 =	vmul.f32 v11, v7  }
0x17c: {  	[tilespmem:v59+s11+$0x0] =	vst.idx.msk $0xffff, v10  }
0x17d: {  	[tilespmem:v61+s11+$0x0] =	vst.idx.msk $0xffff, v9  }
0x17e: {  	s0 =	sor.u32 s26, s29;
	s31 =	rddreg [dreg:$0xe]  }
0x17f: {  	s0 =	smul.u32 $0x5500, s0;
	p1 =	seq.s32 s31, $0x17  }
.Ltmp6:
0x180: {  	_ = 	snop;
	(pc) =	sbr.rel @p1 .LBB2_14-.Ltmp6, $4  }
0x181: {  	_ = 	snop  }
0x182: {  	s0 =	sshrl.u32 s0, $0x3  }
0x183: {  	s30 =	sadd.s32 s17, s0;
	s0 =	simm.s32 $0x0  }
0x184: {  	[hbm4b:s30+s0] =	stream.linear.scatter [tilespmem:s11], [sflag:$0x3], $0x5500, $0x38;
	[tilespmem:$0x15400] =	vst v63  }
0x185: {  	s1 =	simm.s32 $0x200;
	s4 =	sadd.s32 $0x0, s25;
	s3 =	simm.s32 $0x100  }
.LBB2_12:
0x186: {  	[tilespmem:s0], [sflag:$0x1] =	stream.linear.gather [hbm4b:s4+s2], $0x100, $0x38;
	[tilespmem:$0x15400] =	vst v63  }
0x187: {  	s4 =	smov.u32 s1;
	s0 =	smov.u32 s3;
	p2 =	sne.s32 s1, $0xA800  }
.Ltmp7:
0x188: {  	s1 =	sadd.s32 $0x200, s1;
	(pc) =	sbr.rel @p2 .LBB2_12-.Ltmp7, $2  }
0x189: {  	_ =	sdelay $0x2  }
0x18a: {  	s3 =	sadd.s32 $0x100, s3;
	s4 =	sadd.s32 s4, s25  }
.Ltmp8:
0x18b: {  	(pc) =	sbr.rel @p0 .LBB2_15-.Ltmp8, $2  }
0x18c: {  	_ =	sdelay $0x2  }
0x18d: {  	[tilespmem:s0], [sflag:$0x1] =	stream.linear.gather [hbm4b:s4+s2], $0x100, $0x38;
	[tilespmem:$0x15400] =	vst v63  }
.LBB2_14:
0x18e: {  	s0 =	simm.s32 $0x4  }
0x18f: {  	_ =	swait.ge [sflag:s0], $0x5500  }
0x190: {  	[sflag:s0] =	ssyncset.done $0x0  }
0x191: {  	[sflag:s0] =	ssyncadd.s32 $0xFFFFAB00  }
.LBB2_15:
0x192: {  	s0 =	simm.s32 $0x2  }
0x193: {  	_ =	swait.ge [sflag:s0], $0x5500  }
0x194: {  	[sflag:s0] =	ssyncset.done $0x0  }
0x195: {  	s17 =	simm.s32 $0x5970;
	[sflag:s0] =	ssyncadd.s32 $0xFFFFAB00  }
0x196: {  	v9 =	vld [tilespmem:s17+$0xFFFFFF90]  }
0x197: {  	v10 =	vld [tilespmem:s17+$0xFFFFFFC0];
	_ =	sdelay $0x3  }
0x198: {  	v11 =	vld [tilespmem:s17+$0xFFFFFFD0];
	v9 =	vmul.f32 $1.442695020e+00, v9  }
0x199: {  	v12 =	vld [tilespmem:s17+$0x0];
	v10 =	vmul.f32 $1.442695020e+00, v10  }
0x19a: {  	v13 =	vld [tilespmem:s17+$0xFFFFFFB0];
	(erf) = vpow2.f32 v9  }
0x19b: {  	v14 =	vld [tilespmem:s17+$0xFFFFFFE0];
	(erf) = vpow2.f32 v10;
	_ =	sdelay $0x1  }
0x19c: {  	v9 =	vmul.f32 $1.442695020e+00, v11  }
0x19d: {  	v11 =	vld [tilespmem:s17+$0xFFFFFFF0];
	v10 =	vmul.f32 $1.442695020e+00, v12  }
0x19e: {  	v12 =	vmul.f32 $1.442695020e+00, v13;
	v13 =	vld [tilespmem:s17+$0xFFFFFFA0];
	(erf) = vpow2.f32 v9  }
0x19f: {  	v9 =	vmul.f32 $1.442695020e+00, v14;
	(erf) = vpow2.f32 v10  }
0x1a0: {  	(erf) = vpow2.f32 v12  }
0x1a1: {  	s18 =	simm.s32 $0x59F0;
	(erf) = vpow2.f32 v9  }
0x1a2: {  	v9 =	vmul.f32 $1.442695020e+00, v11;
	v11 =	vld [tilespmem:s18+$0xFFFFFF90];
	v14 =	vpop (erf)  }
0x1a3: {  	v12 =	vld [tilespmem:s18+$0xFFFFFFC0];
	v10 =	vmul.f32 $1.442695020e+00, v13;
	v13 =	vpop (erf)  }
0x1a4: {  	(erf) = vpow2.f32 v9;
	v9 =	vadd.f32 $1.000000000e+00, v13;
	_ =	sdelay $0x1  }
0x1a5: {  	v15 =	vld [tilespmem:s18+$0xFFFFFFD0];
	(erf) = vpow2.f32 v10;
	v18 =	vadd.f32 $1.000000000e+00, v14  }
0x1a6: {  	v17 =	vld [tilespmem:s18+$0x0];
	v11 =	vmul.f32 $1.442695020e+00, v11;
	v10 =	vpop (erf);
	(erf) = vrcp.f32 v9  }
0x1a7: {  	v20 =	vld [tilespmem:s18+$0xFFFFFFE0];
	v12 =	vmul.f32 $1.442695020e+00, v12;
	(erf) = vrcp.f32 v18;
	v9 =	vpop (erf)  }
0x1a8: {  	s1 =	simm.s32 $0x0;
	v19 =	vld [tilespmem:s18+$0xFFFFFFB0];
	(erf) = vpow2.f32 v11;
	v25 =	vpop (erf)  }
0x1a9: {  	s1 =	sand.u32 $0x8, s1;
	v16 =	vld [tilespmem:s18+$0xFFFFFFF0];
	(erf) = vpow2.f32 v12;
	v23 =	vpop (erf)  }
0x1aa: {  	s20 =	simm.s32 $0x5A70;
	s1 =	smul.u32 $0x550, s1;
	v15 =	vmul.f32 $1.442695020e+00, v15;
	v18 =	vld [tilespmem:s18+$0xFFFFFFA0];
	v11 =	vadd.f32 $1.000000000e+00, v23  }
0x1ab: {  	v30 =	vld [tilespmem:s20+$0x0];
	v12 =	vmul.f32 $1.442695020e+00, v17  }
0x1ac: {  	s19 =	sadd.s32 $0x0, s1;
	v17 =	vmul.f32 $1.442695020e+00, v20;
	v20 =	vld [tilespmem:s20+$0xFFFFFF90];
	(erf) = vpow2.f32 v15  }
0x1ad: {  	s3 =	sadd.s32 $0xFF4, s19;
	v15 =	vmul.f32 $1.442695020e+00, v19;
	v33 =	vpop (erf);
	(erf) = vrcp.f32 v11  }
0x1ae: {  	v26 =	vadd.s32 s3, v1;
	v16 =	vmul.f32 $1.442695020e+00, v16;
	(erf) = vpow2.f32 v12;
	v11 =	vpop (erf)  }
0x1af: {  	v35 =	vld [tilespmem:s20+$0xFFFFFFC0];
	v21 =	vmul.f32 $1.442695020e+00, v18;
	v12 =	vadd.f32 $1.000000000e+00, v25;
	(erf) = vpow2.f32 v15;
	v18 =	vpop (erf)  }
0x1b0: {  	v24 =	vld [tilespmem:s20+$0xFFFFFFF0];
	s21 =	sadd.s32 $0x4, s19;
	v30 =	vmul.f32 $1.442695020e+00, v30;
	v15 =	vadd.f32 $1.000000000e+00, v10;
	(erf) = vpow2.f32 v17;
	v28 =	vpop (erf)  }
0x1b1: {  	v32 =	vadd.s32 s21, v1;
	v31 =	vmul.f32 $1.442695020e+00, v20;
	v20 =	vld [tilespmem:s20+$0xFFFFFFB0];
	(erf) = vrcp.f32 v12;
	v17 =	vpop (erf)  }
0x1b2: {  	v37 =	vld [tilespmem:s20+$0xFFFFFFD0];
	v22 =	vadd.f32 $1.000000000e+00, v33;
	v29 =	vmul.f32 v18, v13;
	(erf) = vrcp.f32 v15;
	v18 =	vpop (erf)  }
0x1b3: {  	v40 =	vld [tilespmem:s20+$0xFFFFFFA0];
	s28 =	sadd.s32 $0x1A94, s19;
	v19 =	vadd.f32 $1.000000000e+00, v9;
	(erf) = vpow2.f32 v16;
	v16 =	vadd.f32 $1.000000000e+00, v18  }
0x1b4: {  	v27 =	vld [tilespmem:s20+$0xFFFFFFE0];
	v38 =	vadd.s32 s28, v1;
	v35 =	vmul.f32 $1.442695020e+00, v35;
	(erf) = vrcp.f32 v22  }
0x1b5: {  	s25 =	simm.s32 $0x8;
	s29 =	sadd.s32 $0xAA4, s19;
	v34 =	vmul.f32 v28, v14;
	v14 =	vadd.f32 $1.000000000e+00, v11;
	v15 =	vpop (erf);
	(erf) = vrcp.f32 v19  }
0x1b6: {  	s4 =	sadd.s32 $0x554, s19;
	s3 =	sand.u32 $0x8, s25;
	v41 =	vadd.s32 s29, v1;
	v28 =	vmul.f32 $1.442695020e+00, v20;
	(erf) = vpow2.f32 v21;
	v39 =	vpop (erf)  }
0x1b7: {  	s3 =	smul.u32 $0x550, s3;
	v12 =	vadd.s32 s4, v1;
	[tilespmem:v26+s14+$0x0] =	vst.idx.msk $0xffff, v29;
	v29 =	vmul.f32 $1.442695020e+00, v37;
	(erf) = vrcp.f32 v16;
	v16 =	vpop (erf)  }
0x1b8: {  	s24 =	sadd.s32 $0x2534, s19;
	v36 =	vadd.f32 $1.000000000e+00, v17;
	v26 =	vmul.f32 $1.442695020e+00, v40;
	v19 =	vmul.f32 $1.442695020e+00, v24;
	v20 =	vpop (erf)  }
0x1b9: {  	s5 =	sadd.s32 $0x1544, s19;
	s0 =	sadd.s32 $0x1FE4, s19;
	s1 =	sadd.s32 $0x0, s3;
	v13 =	vadd.s32 s24, v1;
	v24 =	vmul.f32 $1.442695020e+00, v27;
	(erf) = vrcp.f32 v14;
	v14 =	vpop (erf)  }
0x1ba: {  	s3 =	simm.s32 $0x10;
	s30 =	sadd.s32 $0xFF4, s1;
	v27 =	vadd.s32 s0, v1;
	v21 =	vadd.s32 s5, v1;
	(erf) = vrcp.f32 v36;
	v60 =	vpop (erf)  }
0x1bb: {  	s31 =	sand.u32 $0x8, s3;
	v39 =	vmul.f32 v39, v23;
	v23 =	vadd.s32 s30, v1;
	(erf) = vpow2.f32 v31;
	v31 =	vpop (erf)  }
0x1bc: {  	[tilespmem:v32+s14+$0x0] =	vst.idx.msk $0xffff, v34;
	s0 =	smul.u32 $0x550, s31;
	v61 =	vadd.f32 $1.000000000e+00, v14;
	(erf) = vpow2.f32 v35;
	v62 =	vmul.f32 v60, v25;
	v25 =	vpop (erf)  }
0x1bd: {  	v22 =	vadd.f32 $1.000000000e+00, v16;
	[tilespmem:v38+s14+$0x0] =	vst.idx.msk $0xffff, v39;
	v32 =	vadd.f32 $1.000000000e+00, v20;
	(erf) = vpow2.f32 v29;
	v63 =	vpop (erf)  }
0x1be: {  	s4 =	simm.s32 $0x5AF0;
	s0 =	sadd.s32 $0x1, s0;
	v29 =	vadd.f32 $1.000000000e+00, v25;
	(erf) = vrcp.f32 v61;
	[tilespmem:v41+s14+$0x0] =	vst.idx.msk $0xffff, v62;
	v33 =	vmul.f32 v63, v33;
	v34 =	vpop (erf)  }
.LBB2_16:
0x1bf: {  	(erf) = vpow2.f32 v30;
	v30 =	vadd.f32 $1.000000000e+00, v15;
	v36 =	vpop (erf);
	v31 =	vmul.f32 v31, v10  }
0x1c0: {  	s3 =	sadd.s32 $0x8, s3;
	v35 =	vld [tilespmem:s4+$0xFFFFFF90];
	v37 =	vmovc v12;
	v38 =	vmovc v17;
	v10 =	vmov v15;
	v39 =	vmov v20;
	v40 =	vmov v25  }
0x1c1: {  	s5 =	sand.u32 $0x8, s3;
	v20 =	vld [tilespmem:s4+$0xFFFFFFF0];
	p0 =	slt.u32 s3, $0x508;
	(erf) = vpow2.f32 v28;
	v12 =	vpop (erf);
	[tilespmem:v27+s14+$0x0] =	vst.idx.msk $0xffff, v33;
	v27 =	vmul.f32 v34, v9;
	v9 =	vmov v16  }
0x1c2: {  	s6 =	sadd.s32 $0x4, s1;
	s5 =	smul.u32 $0x550, s5;
	v16 =	vld [tilespmem:s4+$0xFFFFFFE0];
	(erf) = vpow2.f32 v24;
	v24 =	vmul.f32 v12, v18;
	[tilespmem:v21+s14+$0x0] =	vst.idx.msk $0xffff, v31;
	v12 =	vpop (erf)  }
0x1c3: {  	s7 =	sshrl.u32 s3, $0x4;
	v21 =	vadd.s32 s6, v1;
	s6 =	sadd.s32 $0x554, s1;
	v25 =	vld [tilespmem:s4+$0xFFFFFFC0];
	(erf) = vrcp.f32 v32;
	v28 =	vmul.f32 v12, v11;
	[tilespmem:v13+s14+$0x0] =	vst.idx.msk $0xffff, v27;
	v11 =	vmovc v36  }
0x1c4: {  	v12 =	vadd.s32 s6, v1;
	s6 =	sadd.s32 $0x2534, s1;
	s5 =	sadd.s32 s7, s5;
	v31 =	vld [tilespmem:s4+$0xFFFFFFD0];
	[tilespmem:v23+s14+$0x0] =	vst.idx.msk $0xffff, v24;
	v15 =	vpop (erf);
	(erf) = vrcp.f32 v30  }
0x1c5: {  	v13 =	vadd.s32 s6, v1;
	v23 =	vmul.f32 $1.442695020e+00, v35;
	v27 =	vld [tilespmem:s4+$0xFFFFFFB0];
	v17 =	vpop (erf);
	(erf) = vpow2.f32 v19;
	[tilespmem:v37+s14+$0x0] =	vst.idx.msk $0xffff, v28  }
0x1c6: {  	v32 =	vadd.f32 $1.000000000e+00, v11;
	v24 =	vmul.f32 v15, v38;
	v30 =	vld [tilespmem:s4+$0x0];
	v18 =	vpop (erf);
	(erf) = vrcp.f32 v29  }
0x1c7: {  	s6 =	sadd.s32 $0x1A94, s1;
	v29 =	vadd.f32 $1.000000000e+00, v17;
	v28 =	vadd.f32 $1.000000000e+00, v18;
	v15 =	vpop (erf);
	(erf) = vrcp.f32 v22  }
0x1c8: {  	s7 =	sadd.s32 $0x1544, s1;
	v19 =	vmul.f32 $1.442695020e+00, v20;
	(erf) = vpow2.f32 v26;
	[tilespmem:v21+s14+$0x0] =	vst.idx.msk $0xffff, v24;
	v26 =	vadd.s32 s6, v1;
	v33 =	vpop (erf)  }
0x1c9: {  	v24 =	vmul.f32 $1.442695020e+00, v16;
	s6 =	sadd.s32 $0xAA4, s1;
	v21 =	vadd.s32 s7, v1;
	(erf) = vrcp.f32 v28;
	v16 =	vpop (erf)  }
0x1ca: {  	v35 =	vadd.s32 s6, v1;
	v34 =	vld [tilespmem:s4+$0xFFFFFFA0];
	v28 =	vmul.f32 $1.442695020e+00, v27;
	v20 =	vpop (erf);
	(erf) = vrcp.f32 v32  }
0x1cb: {  	s6 =	sadd.s32 $0x1FE4, s1;
	s1 =	smov.u32 s0;
	s0 =	smov.u32 s5;
	v22 =	vadd.f32 $1.000000000e+00, v16;
	v32 =	vmul.f32 v33, v14;
	v30 =	vmul.f32 $1.442695020e+00, v30;
	v14 =	vpop (erf)  }
.Ltmp9:
0x1cc: {  	v37 =	vmul.f32 $1.442695020e+00, v25;
	s5 =	sadd.s32 $0xFF4, s1;
	v27 =	vadd.s32 s6, v1;
	(erf) = vrcp.f32 v29;
	v29 =	vpop (erf);
	(pc) =	sbr.rel @p0 .LBB2_16-.Ltmp9, $4  }
0x1cd: {  	v38 =	vmul.f32 $1.442695020e+00, v31;
	(erf) = vpow2.f32 v23;
	v23 =	vadd.s32 s5, v1;
	[tilespmem:v26+s14+$0x0] =	vst.idx.msk $0xffff, v32;
	v31 =	vpop (erf)  }
0x1ce: {  	v36 =	vadd.f32 $1.000000000e+00, v14;
	(erf) = vpow2.f32 v37;
	v25 =	vpop (erf);
	v37 =	vmul.f32 v29, v39  }
0x1cf: {  	v32 =	vadd.f32 $1.000000000e+00, v20;
	v26 =	vmul.f32 $1.442695020e+00, v34;
	(erf) = vpow2.f32 v38;
	v33 =	vpop (erf)  }
0x1d0: {  	s4 =	sadd.s32 $0x80, s4;
	v29 =	vadd.f32 $1.000000000e+00, v25;
	(erf) = vrcp.f32 v36;
	[tilespmem:v35+s14+$0x0] =	vst.idx.msk $0xffff, v37;
	v33 =	vmul.f32 v33, v40;
	v34 =	vpop (erf)  }
0x1d1: {  	(erf) = vpow2.f32 v30  }
0x1d2: {  	v30 =	vpop (erf);
	(erf) = vpow2.f32 v28;
	v28 =	vadd.f32 $1.000000000e+00, v15  }
0x1d3: {  	v35 =	vpop (erf);
	(erf) = vpow2.f32 v24  }
0x1d4: {  	v24 =	vpop (erf);
	(erf) = vrcp.f32 v32  }
0x1d5: {  	v44 =	vpop (erf);
	(erf) = vrcp.f32 v28  }
0x1d6: {  	v28 =	vpop (erf);
	(erf) = vpow2.f32 v19  }
0x1d7: {  	v19 =	vpop (erf);
	(erf) = vrcp.f32 v29  }
0x1d8: {  	v29 =	vpop (erf);
	(erf) = vrcp.f32 v22  }
0x1d9: {  	(erf) = vpow2.f32 v26;
	v26 =	vadd.f32 $1.000000000e+00, v19  }
0x1da: {  	v22 =	vpop (erf)  }
0x1db: {  	v10 =	vmul.f32 v31, v10;
	v9 =	vmul.f32 v34, v9;
	s3 =	sadd.s32 $0x4, s1;
	v45 =	vadd.f32 $1.000000000e+00, v30;
	v31 =	vpop (erf)  }
0x1dc: {  	s20 =	sadd.s32 $0x1A94, s1;
	v36 =	vadd.s32 s3, v1;
	[tilespmem:v27+s14+$0x0] =	vst.idx.msk $0xffff, v33;
	v18 =	vmul.f32 v35, v18;
	v46 =	vpop (erf);
	(erf) = vrcp.f32 v26  }
0x1dd: {  	s21 =	sadd.s32 $0xAA4, s1;
	[tilespmem:v21+s14+$0x0] =	vst.idx.msk $0xffff, v10;
	v10 =	vadd.s32 s20, v1;
	v37 =	vadd.f32 $1.000000000e+00, v28;
	v26 =	vpop (erf);
	(erf) = vrcp.f32 v45  }
0x1de: {  	s24 =	sadd.s32 $0x1FE4, s1;
	[tilespmem:v13+s14+$0x0] =	vst.idx.msk $0xffff, v9;
	v9 =	vadd.s32 s21, v1;
	v11 =	vmul.f32 v24, v11;
	v24 =	vpop (erf);
	v47 =	vadd.f32 $1.000000000e+00, v26  }
0x1df: {  	[tilespmem:v23+s14+$0x0] =	vst.idx.msk $0xffff, v18;
	v23 =	vadd.s32 s24, v1;
	v48 =	vadd.f32 $1.000000000e+00, v46;
	(erf) = vrcp.f32 v37;
	v27 =	vpop (erf)  }
0x1e0: {  	v17 =	vmul.f32 v44, v17;
	v49 =	vadd.f32 $1.000000000e+00, v29;
	v21 =	vpop (erf);
	(erf) = vrcp.f32 v47  }
0x1e1: {  	[tilespmem:v12+s14+$0x0] =	vst.idx.msk $0xffff, v11;
	v12 =	vmul.f32 v22, v14;
	(erf) = vrcp.f32 v48;
	v50 =	vadd.f32 $1.000000000e+00, v21  }
0x1e2: {  	s4 =	sadd.s32 $0x1544, s1;
	[tilespmem:v36+s14+$0x0] =	vst.idx.msk $0xffff, v17;
	v17 =	vmul.f32 v24, v20;
	v13 =	vpop (erf);
	(erf) = vrcp.f32 v49  }
0x1e3: {  	s25 =	sadd.s32 $0x2534, s1;
	v18 =	vadd.s32 s4, v1;
	[tilespmem:v10+s14+$0x0] =	vst.idx.msk $0xffff, v12;
	v51 =	vpop (erf);
	v10 =	vmul.f32 v13, v25;
	(erf) = vrcp.f32 v50  }
0x1e4: {  	s4 =	sadd.s32 $0xFF4, s0;
	v22 =	vadd.s32 s25, v1;
	v11 =	vadd.f32 $1.000000000e+00, v31;
	[tilespmem:v9+s14+$0x0] =	vst.idx.msk $0xffff, v17;
	v9 =	vmul.f32 v27, v15;
	v14 =	vpop (erf)  }
0x1e5: {  	s5 =	sadd.s32 $0x554, s1;
	v24 =	vadd.s32 s4, v1;
	v12 =	vpop (erf);
	[tilespmem:v23+s14+$0x0] =	vst.idx.msk $0xffff, v10;
	v10 =	vmul.f32 v51, v16  }
0x1e6: {  	s6 =	sadd.s32 $0x4, s0;
	v20 =	vadd.f32 $1.000000000e+00, v14;
	(erf) = vrcp.f32 v11;
	v11 =	vadd.s32 s5, v1;
	v13 =	vpop (erf)  }
0x1e7: {  	s7 =	sadd.s32 $0x1A94, s0;
	v15 =	vadd.s32 s6, v1;
	v13 =	vmul.f32 v13, v30  }
0x1e8: {  	[tilespmem:v18+s14+$0x0] =	vst.idx.msk $0xffff, v9;
	v16 =	vadd.s32 s7, v1;
	v12 =	vmul.f32 v12, v19;
	(erf) = vrcp.f32 v20;
	v9 =	vpop (erf)  }
0x1e9: {  	[tilespmem:v22+s14+$0x0] =	vst.idx.msk $0xffff, v10;
	v10 =	vpop (erf)  }
0x1ea: {  	s8 =	sadd.s32 $0xAA4, s0;
	[tilespmem:v24+s14+$0x0] =	vst.idx.msk $0xffff, v12;
	v9 =	vmul.f32 v9, v28;
	v18 =	vpop (erf)  }
0x1eb: {  	s9 =	sadd.s32 $0x1FE4, s0;
	v17 =	vadd.s32 s8, v1;
	[tilespmem:v11+s14+$0x0] =	vst.idx.msk $0xffff, v13;
	v10 =	vmul.f32 v10, v26;
	v13 =	vpop (erf)  }
0x1ec: {  	s10 =	sadd.s32 $0x1544, s0;
	v12 =	vadd.s32 s9, v1;
	[tilespmem:v15+s14+$0x0] =	vst.idx.msk $0xffff, v9;
	v9 =	vmul.f32 v18, v46;
	v15 =	vpop (erf)  }
0x1ed: {  	s12 =	sadd.s32 $0x2534, s0;
	v11 =	vadd.s32 s10, v1;
	[tilespmem:v16+s14+$0x0] =	vst.idx.msk $0xffff, v10;
	v10 =	vmul.f32 v15, v21  }
0x1ee: {  	s13 =	sadd.s32 $0x554, s0;
	v19 =	vadd.s32 s12, v1  }
0x1ef: {  	v18 =	vadd.s32 s13, v1  }
0x1f0: {  	v13 =	vmul.f32 v13, v29;
	[tilespmem:v17+s14+$0x0] =	vst.idx.msk $0xffff, v9;
	v9 =	vpop (erf)  }
0x1f1: {  	[tilespmem:v12+s14+$0x0] =	vst.idx.msk $0xffff, v10;
	v9 =	vmul.f32 v9, v31;
	v10 =	vpop (erf)  }
0x1f2: {  	[tilespmem:v11+s14+$0x0] =	vst.idx.msk $0xffff, v13;
	v10 =	vmul.f32 v10, v14  }
0x1f3: {  	[tilespmem:v19+s14+$0x0] =	vst.idx.msk $0xffff, v9  }
0x1f4: {  	s15 =	sor.u32 $0x1, s26;
	[tilespmem:v18+s14+$0x0] =	vst.idx.msk $0xffff, v10  }
0x1f5: {  	s17 =	simm.s32 $0x5520;
	[dreg:$0x10] =	wrdreg s15  }
0x1f6: {  	v9 =	vld [tilespmem:s17+$0xFFFFFFE0]  }
0x1f7: {  	v10 =	vld [tilespmem:s17+$0xFFFFFFF0]  }
0x1f8: {  	v11 =	vld [tilespmem:s17+$0x10];
	_ =	sdelay $0x2  }
0x1f9: {  	v9 =	vmul.f32 $1.442695020e+00, v9  }
0x1fa: {  	v10 =	vmul.f32 $1.442695020e+00, v10  }
0x1fb: {  	v11 =	vmul.f32 $1.442695020e+00, v11;
	(erf) = vpow2.f32 v9  }
0x1fc: {  	v9 =	vld [tilespmem:s17+$0x0];
	(erf) = vpow2.f32 v10  }
0x1fd: {  	(erf) = vpow2.f32 v11;
	_ =	sdelay $0x3  }
0x1fe: {  	v9 =	vmul.f32 $1.442695020e+00, v9;
	_ =	sdelay $0x2  }
0x1ff: {  	(erf) = vpow2.f32 v9;
	v10 =	vpop (erf)  }
0x200: {  	v9 =	vpop (erf)  }
0x201: {  	v11 =	vpop (erf)  }
0x202: {  	v12 =	vadd.f32 $1.000000000e+00, v11  }
0x203: {  	v13 =	vadd.f32 $1.000000000e+00, v9  }
0x204: {  	v14 =	vadd.f32 $1.000000000e+00, v10;
	(erf) = vrcp.f32 v12  }
0x205: {  	(erf) = vrcp.f32 v13  }
0x206: {  	(erf) = vrcp.f32 v14;
	_ =	sdelay $0x1  }
0x207: {  	v12 =	vpop (erf)  }
0x208: {  	v13 =	vadd.f32 $1.000000000e+00, v12;
	_ =	sdelay $0x1  }
0x209: {  	(erf) = vrcp.f32 v13;
	_ =	sdelay $0x1  }
0x20a: {  	v13 =	vpop (erf)  }
0x20b: {  	v14 =	vpop (erf)  }
0x20c: {  	s18 =	sadd.s32 $0x0, s23;
	v15 =	vpop (erf)  }
0x20d: {  	s19 =	simm.s32 $0x5560;
	s5 =	sadd.s32 $0x110, s18;
	s9 =	simm.s32 $0x0;
	v10 =	vmul.f32 v15, v10  }
0x20e: {  	v19 =	vor.u32 s5, v0;
	v16 =	vld [tilespmem:s19+$0xFFFFFFE0];
	v15 =	vadd.s32 s9, v1  }
0x20f: {  	s20 =	sadd.s32 $0x120, s18;
	v19 =	vand.u32 $0x3F, v19;
	v18 =	vld [tilespmem:s19+$0xFFFFFFF0];
	v10 =	vadd.f32 v2, v10  }
0x210: {  	s28 =	simm.s32 $0x550;
	v17 =	vor.u32 s20, v0;
	v19 =	vcvt.s32.f32 v19;
	v20 =	vld [tilespmem:s19+$0x10];
	v9 =	vmul.f32 v14, v9  }
0x211: {  	v21 =	vadd.s32 s28, v1;
	v17 =	vand.u32 $0x3F, v17;
	v14 =	vpop (erf);
	v10 =	vmul.f32 $8.000000000e+00, v10  }
0x212: {  	s16 =	simm.s32 $0x0;
	s29 =	simm.s32 $0xAA0;
	v17 =	vcvt.s32.f32 v17;
	v9 =	vadd.f32 v19, v9;
	v12 =	vmul.f32 v14, v12  }
0x213: {  	s24 =	sand.u32 $0xC0, s16;
	v22 =	vld [tilespmem:s19+$0x0];
	v14 =	vmul.f32 $1.442695020e+00, v16;
	[tilespmem:v15+s14+$0x0] =	vst.idx.msk $0xffff, v10;
	v10 =	vadd.s32 s29, v1  }
0x214: {  	v9 =	vmul.f32 $8.000000000e+00, v9;
	v12 =	vadd.f32 v17, v12;
	v15 =	vmul.f32 $1.442695020e+00, v18;
	v16 =	vld [tilespmem:s24+$0x5600]  }
0x215: {  	v17 =	vmul.f32 $1.442695020e+00, v20;
	(erf) = vpow2.f32 v14  }
0x216: {  	s21 =	simm.s32 $0x10;
	v12 =	vmul.f32 $8.000000000e+00, v12;
	(erf) = vpow2.f32 v15  }
0x217: {  	s25 =	simm.s32 $0x20;
	s15 =	sand.u32 $0xD0, s21;
	[tilespmem:v21+s14+$0x0] =	vst.idx.msk $0xffff, v9;
	(erf) = vpow2.f32 v17  }
0x218: {  	s16 =	sand.u32 $0xE0, s25;
	v9 =	vmul.f32 $1.442695020e+00, v22;
	v14 =	vld [tilespmem:s15+$0x5600];
	[tilespmem:v10+s14+$0x0] =	vst.idx.msk $0xffff, v12  }
0x219: {  	v10 =	vmul.f32 $1.442695020e+00, v16;
	v12 =	vld [tilespmem:s16+$0x5600]  }
0x21a: {  	(erf) = vpow2.f32 v9  }
0x21b: {  	(erf) = vpow2.f32 v10  }
0x21c: {  	s4 =	sadd.s32 $0x130, s18;
	v15 =	vmov s5  }
0x21d: {  	v18 =	vshrl.u32 v15, $0x6;
	v15 =	vmov s4;
	v14 =	vmul.f32 $1.442695020e+00, v14  }
0x21e: {  	v17 =	vpop (erf);
	v12 =	vmul.f32 $1.442695020e+00, v12  }
0x21f: {  	v10 =	vmov s20;
	(erf) = vpow2.f32 v14;
	v19 =	vpop (erf)  }
0x220: {  	s31 =	simm.s32 $0x1A90;
	v21 =	vshrl.u32 v10, $0x6;
	v10 =	vshra.s32 v15, $0x6;
	v15 =	vpop (erf);
	(erf) = vpow2.f32 v12  }
0x221: {  	s26 =	simm.s32 $0xFF0;
	v53 =	vadd.s32 s31, v1;
	v12 =	vadd.f32 $1.000000000e+00, v15  }
0x222: {  	v61 =	vadd.s32 s26, v3;
	v11 =	vmul.f32 v13, v11;
	v13 =	vadd.f32 $1.000000000e+00, v19  }
0x223: {  	s13 =	simm.s32 $0x55A0;
	v16 =	vadd.s32 s26, v1;
	v14 =	vadd.f32 $1.000000000e+00, v17;
	v24 =	vpop (erf);
	(erf) = vrcp.f32 v12  }
0x224: {  	s3 =	sadd.s32 $0x100, s18;
	v52 =	vld [tilespmem:s13+$0xFFFFFFF0];
	v11 =	vadd.f32 v6, v11;
	v12 =	vadd.f32 $1.000000000e+00, v24;
	(erf) = vrcp.f32 v13;
	v26 =	vpop (erf)  }
0x225: {  	s5 =	sadd.s32 $0x40, s23;
	v9 =	vmov s3;
	(erf) = vrcp.f32 v14;
	v14 =	vadd.f32 $1.000000000e+00, v26  }
0x226: {  	v54 =	vld [tilespmem:s13+$0xFFFFFFE0];
	v11 =	vmul.f32 $8.000000000e+00, v11;
	s12 =	sadd.s32 $0x110, s5;
	v9 =	vshra.s32 v9, $0x6;
	(erf) = vrcp.f32 v12  }
0x227: {  	s10 =	simm.s32 $0x30;
	s0 =	sadd.s32 $0x130, s5;
	v23 =	vcvt.s32.f32 v9;
	(erf) = vrcp.f32 v14;
	v14 =	vor.u32 s12, v0  }
0x228: {  	s8 =	sand.u32 $0xF0, s10;
	v9 =	vcvt.s32.f32 v10;
	[tilespmem:v16+s14+$0x0] =	vst.idx.msk $0xffff, v11;
	v28 =	vpop (erf);
	v27 =	vand.u32 $0x3F, v14;
	v14 =	vmov s0  }
0x229: {  	v32 =	vmul.f32 $1.442695020e+00, v52;
	v16 =	vld [tilespmem:s8+$0x5600];
	v29 =	vadd.f32 $1.000000000e+00, v28;
	v22 =	vshra.s32 v14, $0x6;
	v30 =	vpop (erf)  }
0x22a: {  	s6 =	sadd.s32 $0x100, s5;
	v31 =	vcvt.s32.f32 v22;
	v22 =	vbroadcast v9, $0x0;
	v9 =	vadd.f32 $1.000000000e+00, v30  }
0x22b: {  	v34 =	vmul.f32 $1.442695020e+00, v54;
	s7 =	sadd.s32 $0x120, s5;
	v20 =	vmov s6;
	v25 =	vmov s12  }
0x22c: {  	v18 =	vcvt.s32.f32 v18;
	v20 =	vshra.s32 v20, $0x6;
	v11 =	vmov s7  }
0x22d: {  	v14 =	vcvt.s32.f32 v20;
	v20 =	vshrl.u32 v25, $0x6;
	(erf) = vrcp.f32 v29;
	v29 =	vpop (erf)  }
0x22e: {  	v25 =	vshrl.u32 v11, $0x6;
	v11 =	vmul.f32 $1.442695020e+00, v16;
	(erf) = vrcp.f32 v9;
	v9 =	vpop (erf)  }
0x22f: {  	v23 =	vbroadcast v23, $0x0;
	v12 =	vor.u32 s7, v0;
	v9 =	vmul.f32 v9, v19;
	v19 =	vpop (erf)  }
0x230: {  	s5 =	simm.s32 $0x2A80;
	v21 =	vcvt.s32.f32 v21;
	v12 =	vand.u32 $0x3F, v12;
	v55 =	vpop (erf);
	(erf) = vpow2.f32 v11  }
0x231: {  	s1 =	simm.s32 $0x1540;
	v36 =	vadd.s32 s5, v1;
	v12 =	vcvt.s32.f32 v12;
	v11 =	vld [tilespmem:s13+$0x0];
	v17 =	vmul.f32 v19, v17  }
0x232: {  	v16 =	vadd.s32 s1, v1;
	v27 =	vcvt.s32.f32 v27;
	v19 =	vpop (erf);
	v24 =	vmul.f32 v55, v24  }
0x233: {  	(erf) = vpow2.f32 v34;
	v19 =	vmul.f32 v19, v26;
	v26 =	vld [tilespmem:s13+$0x10];
	v17 =	vadd.f32 v2, v17  }
0x234: {  	v27 =	vadd.f32 v27, v9;
	(erf) = vpow2.f32 v32;
	v12 =	vadd.f32 v12, v24  }
0x235: {  	s19 =	sadd.s32 $0x80, s23;
	s3 =	simm.s32 $0x1FE0;
	v19 =	vadd.f32 v19, v23;
	v23 =	vadd.s32 s9, v3;
	v17 =	vmul.f32 $8.000000000e+00, v17  }
0x236: {  	s17 =	simm.s32 $0x40;
	v56 =	vadd.s32 s3, v1;
	s20 =	sadd.s32 $0x120, s19;
	v57 =	vpop (erf);
	v27 =	vmul.f32 $8.000000000e+00, v27;
	v58 =	vmul.f32 $1.442695020e+00, v11  }
0x237: {  	s18 =	simm.s32 $0x50;
	s10 =	sand.u32 $0xC0, s17;
	v59 =	vmov s20;
	v12 =	vmul.f32 $8.000000000e+00, v12;
	[tilespmem:v16+s14+$0x0] =	vst.idx.msk $0xffff, v17;
	v17 =	vmul.f32 v57, v28  }
0x238: {  	v10 =	vadd.s32 s28, v4;
	s0 =	sand.u32 $0xD0, s18;
	[tilespmem:v53+s14+$0x0] =	vst.idx.msk $0xffff, v27;
	v24 =	vpop (erf);
	v19 =	vmul.f32 $8.000000000e+00, v19;
	v16 =	vmul.f32 $1.442695020e+00, v26;
	v26 =	vld [tilespmem:s10+$0x5600]  }
0x239: {  	v27 =	vadd.s32 s28, v3;
	v28 =	vld [tilespmem:s0+$0x5600];
	v24 =	vmul.f32 v24, v30;
	v17 =	vadd.f32 v18, v17;
	v18 =	vpop (erf)  }
0x23a: {  	s7 =	simm.s32 $0x60;
	s12 =	sadd.s32 $0x100, s19;
	[tilespmem:v23+s14+$0x0] =	vst.idx.msk $0xffff, v19;
	(erf) = vpow2.f32 v16;
	v16 =	vadd.s32 s29, v3;
	v19 =	vadd.f32 $1.000000000e+00, v18  }
0x23b: {  	s7 =	sand.u32 $0xE0, s7;
	[tilespmem:v56+s14+$0x0] =	vst.idx.msk $0xffff, v12;
	v12 =	vadd.f32 v21, v24;
	v21 =	vmov s12;
	v30 =	vld [tilespmem:s24+$0x5700];
	(erf) = vpow2.f32 v58  }
0x23c: {  	v24 =	vld [tilespmem:s7+$0x5600];
	v23 =	vor.u32 s20, v0;
	v17 =	vmul.f32 $8.000000000e+00, v17;
	(erf) = vrcp.f32 v19  }
0x23d: {  	s21 =	sadd.s32 $0x110, s19;
	v12 =	vmul.f32 $8.000000000e+00, v12;
	v19 =	vshra.s32 v21, $0x6;
	v21 =	vmul.f32 $1.442695020e+00, v26  }
0x23e: {  	s30 =	simm.s32 $0x2530;
	v60 =	vand.u32 $0x3F, v23;
	v23 =	vmul.f32 $1.442695020e+00, v28;
	[tilespmem:v27+s14+$0x0] =	vst.idx.msk $0xffff, v17;
	v26 =	vor.u32 s21, v0  }
0x23f: {  	s6 =	simm.s32 $0x3A70;
	v13 =	vadd.s32 s30, v1;
	v9 =	vadd.s32 s31, v4;
	v27 =	vld [tilespmem:s15+$0x5700];
	(erf) = vpow2.f32 v21;
	[tilespmem:v16+s14+$0x0] =	vst.idx.msk $0xffff, v12  }
0x240: {  	s4 =	sadd.s32 $0x130, s19;
	v11 =	vadd.s32 s6, v1;
	v16 =	vmul.f32 $1.442695020e+00, v30;
	(erf) = vpow2.f32 v23;
	v23 =	vld [tilespmem:s16+$0x5700]  }
0x241: {  	v28 =	vmov s4;
	v24 =	vmul.f32 $1.442695020e+00, v24;
	v21 =	vand.u32 $0x3F, v26;
	v26 =	vpop (erf)  }
0x242: {  	s12 =	simm.s32 $0x2FD0;
	v35 =	vcvt.s32.f32 v60;
	v28 =	vshra.s32 v28, $0x6;
	v32 =	vpop (erf);
	(erf) = vpow2.f32 v16  }
0x243: {  	v37 =	vadd.s32 s12, v1;
	v30 =	vmul.f32 v29, v15;
	v15 =	vpop (erf);
	(erf) = vpow2.f32 v24  }
0x244: {  	v62 =	vadd.f32 $1.000000000e+00, v32;
	v24 =	vmul.f32 $1.442695020e+00, v27;
	v29 =	vpop (erf);
	v27 =	vadd.f32 $1.000000000e+00, v15  }
0x245: {  	v16 =	vcvt.s32.f32 v28;
	v30 =	vadd.f32 v6, v30;
	v38 =	vmul.f32 $1.442695020e+00, v23;
	v28 =	vpop (erf)  }
0x246: {  	v23 =	vadd.f32 $1.000000000e+00, v29;
	(erf) = vrcp.f32 v27;
	v28 =	vmul.f32 v28, v18  }
0x247: {  	v27 =	vadd.f32 $1.000000000e+00, v26;
	v18 =	vbroadcast v31, $0x0;
	(erf) = vrcp.f32 v62  }
0x248: {  	v34 =	vpop (erf);
	(erf) = vpow2.f32 v24;
	v22 =	vadd.f32 v28, v22;
	v28 =	vmul.f32 $8.000000000e+00, v30  }
0x249: {  	v31 =	vadd.s32 s9, v4;
	(erf) = vrcp.f32 v27;
	v27 =	vadd.f32 $1.000000000e+00, v34  }
0x24a: {  	s25 =	simm.s32 $0x70;
	v17 =	vmov s21;
	v24 =	vpop (erf);
	(erf) = vrcp.f32 v23;
	v22 =	vmul.f32 $8.000000000e+00, v22  }
0x24b: {  	s4 =	sand.u32 $0xF0, s25;
	v19 =	vcvt.s32.f32 v19;
	v12 =	vshrl.u32 v17, $0x6;
	(erf) = vrcp.f32 v27;
	v63 =	vpop (erf);
	[tilespmem:v13+s14+$0x0] =	vst.idx.msk $0xffff, v28  }
0x24c: {  	v30 =	vadd.f32 $1.000000000e+00, v24;
	v27 =	vcvt.s32.f32 v20;
	v20 =	vmul.f32 v63, v8;
	v40 =	vld [tilespmem:s4+$0x5600];
	v28 =	vpop (erf);
	[tilespmem:v61+s14+$0x0] =	vst.idx.msk $0xffff, v22  }
0x24d: {  	v17 =	vshrl.u32 v59, $0x6;
	v13 =	vadd.s32 s9, v5;
	s9 =	simm.s32 $0x3520;
	v39 =	vadd.f32 $1.000000000e+00, v28;
	v41 =	vld [tilespmem:s8+$0x5700]  }
0x24e: {  	s19 =	simm.s32 $0xC0;
	s18 =	simm.s32 $0x8;
	v23 =	vadd.s32 s26, v4;
	v33 =	vadd.s32 s9, v1;
	(erf) = vrcp.f32 v30;
	[tilespmem:v31+s14+$0x0] =	vst.idx.msk $0xffff, v20  }
0x24f: {  	s13 =	simm.s32 $0x80;
	s20 =	simm.s32 $0x4FB0;
	s21 =	simm.s32 $0x55E0;
	v20 =	vadd.s32 s12, v4;
	v31 =	vcvt.s32.f32 v25;
	v22 =	vpop (erf);
	(erf) = vrcp.f32 v39;
	v39 =	vld [tilespmem:s24+$0x5800]  }
.LBB2_18:
0x250: {  	s25 =	sadd.s32 s19, s23;
	v42 =	vld [tilespmem:s21+$0xFFFFFFF0];
	v25 =	vadd.s32 s20, v1;
	s18 =	sadd.s32 $0x4, s18;
	v21 =	vcvt.s32.f32 v21;
	v30 =	vpop (erf);
	(erf) = vpow2.f32 v38;
	s24 =	smov.u32 s10  }
0x251: {  	v43 =	vadd.s32 s29, v4;
	s10 =	sadd.s32 $0x120, s25;
	p0 =	slt.u32 s18, $0xC;
	v30 =	vmul.f32 v30, v32;
	v32 =	vbroadcast v14, $0x0;
	v14 =	vpop (erf)  }
0x252: {  	s17 =	sadd.s32 $0x100, s25;
	v40 =	vmul.f32 $1.442695020e+00, v40;
	v44 =	vld [tilespmem:s21+$0xFFFFFFE0];
	v45 =	vor.u32 s10, v0;
	v46 =	vpop (erf);
	v41 =	vmul.f32 $1.442695020e+00, v41  }
0x253: {  	v38 =	vmov s17;
	v49 =	vmul.f32 v14, v8;
	v47 =	vld [tilespmem:s21+$0x0];
	v21 =	vadd.f32 v21, v30;
	v48 =	vpop (erf)  }
0x254: {  	v38 =	vshra.s32 v38, $0x6;
	v26 =	vmul.f32 v46, v26;
	v46 =	vpop (erf);
	(erf) = vpow2.f32 v41  }
0x255: {  	v14 =	vmovc v19;
	v41 =	vmov s10;
	v21 =	vmul.f32 $8.000000000e+00, v21;
	(erf) = vpow2.f32 v40;
	[tilespmem:v10+s14+$0x0] =	vst.idx.msk $0xffff, v49;
	v30 =	vmovc v17  }
0x256: {  	v17 =	vmul.f32 $1.442695020e+00, v42;
	v19 =	vadd.f32 v2, v26;
	v26 =	vmul.f32 v46, v34;
	v10 =	vmovc v9;
	v9 =	vmovc v20;
	v34 =	vld [tilespmem:s15+$0x5800];
	s15 =	smov.u32 s0  }
0x257: {  	v29 =	vmul.f32 v48, v29;
	v39 =	vmul.f32 $1.442695020e+00, v39;
	v42 =	vadd.s32 s1, v3;
	s0 =	sadd.s32 $0x10, s13;
	v40 =	vld [tilespmem:s21+$0x10];
	v46 =	vpop (erf)  }
0x258: {  	v20 =	vand.u32 $0x3F, v45;
	v44 =	vmul.f32 $1.442695020e+00, v44;
	v19 =	vmul.f32 $8.000000000e+00, v19;
	s0 =	sand.u32 $0xD0, s0;
	[tilespmem:v37+s14+$0x0] =	vst.idx.msk $0xffff, v21;
	v45 =	vpop (erf)  }
0x259: {  	s10 =	sadd.s32 $0x110, s25;
	v26 =	vadd.f32 v26, v32;
	v47 =	vmul.f32 $1.442695020e+00, v47;
	v48 =	vld [tilespmem:s0+$0x5600];
	(erf) = vpow2.f32 v39;
	v21 =	vpop (erf)  }
0x25a: {  	v32 =	vmov s10;
	v37 =	vor.u32 s10, v0;
	v39 =	vmul.f32 v21, v8  }
0x25b: {  	s10 =	sand.u32 $0xC0, s13;
	v26 =	vmul.f32 $8.000000000e+00, v26;
	v21 =	vand.u32 $0x3F, v37;
	[tilespmem:v36+s14+$0x0] =	vst.idx.msk $0xffff, v19;
	v19 =	vadd.f32 v35, v29  }
0x25c: {  	v24 =	vmul.f32 v46, v24;
	v37 =	vshrl.u32 v32, $0x6;
	v29 =	vmul.f32 $1.442695020e+00, v40;
	v32 =	vld [tilespmem:s10+$0x5600];
	[tilespmem:v43+s14+$0x0] =	vst.idx.msk $0xffff, v39  }
0x25d: {  	(erf) = vpow2.f32 v44;
	v19 =	vmul.f32 $8.000000000e+00, v19;
	[tilespmem:v42+s14+$0x0] =	vst.idx.msk $0xffff, v26;
	v26 =	vadd.s32 s31, v3;
	v35 =	vld [tilespmem:s16+$0x5800];
	v36 =	vpop (erf);
	s16 =	smov.u32 s7  }
0x25e: {  	v24 =	vadd.f32 v27, v24;
	s7 =	sadd.s32 $0x20, s13;
	v39 =	vmul.f32 $1.442695020e+00, v48;
	v40 =	vld [tilespmem:s24+$0x5700];
	v27 =	vpop (erf);
	v36 =	vmul.f32 v36, v8  }
0x25f: {  	s7 =	sand.u32 $0xE0, s7;
	(erf) = vpow2.f32 v17;
	[tilespmem:v33+s14+$0x0] =	vst.idx.msk $0xffff, v19;
	v17 =	vmul.f32 v45, v28;
	v19 =	vadd.f32 $1.000000000e+00, v27  }
0x260: {  	v42 =	vmul.f32 $8.000000000e+00, v24;
	(erf) = vpow2.f32 v29;
	v28 =	vld [tilespmem:s7+$0x5600];
	v29 =	vadd.s32 s3, v3;
	[tilespmem:v23+s14+$0x0] =	vst.idx.msk $0xffff, v36  }
0x261: {  	(erf) = vpow2.f32 v47;
	v23 =	vadd.f32 v31, v17;
	v31 =	vmul.f32 $1.442695020e+00, v34;
	v33 =	vld [tilespmem:s8+$0x5800];
	s8 =	smov.u32 s4  }
0x262: {  	v17 =	vshrl.u32 v41, $0x6;
	s4 =	sadd.s32 $0x130, s25;
	[tilespmem:v26+s14+$0x0] =	vst.idx.msk $0xffff, v42;
	(erf) = vrcp.f32 v19;
	v19 =	vmul.f32 $1.442695020e+00, v35;
	v24 =	vpop (erf)  }
0x263: {  	v32 =	vmul.f32 $1.442695020e+00, v32;
	v26 =	vmov s4;
	v34 =	vmul.f32 $1.442695020e+00, v40;
	v35 =	vld [tilespmem:s15+$0x5700]  }
0x264: {  	v36 =	vshra.s32 v26, $0x6;
	v23 =	vmul.f32 $8.000000000e+00, v23;
	(erf) = vpow2.f32 v19  }
0x265: {  	v28 =	vmul.f32 $1.442695020e+00, v28;
	(erf) = vpow2.f32 v32  }
0x266: {  	v42 =	vadd.s32 s26, v5;
	s26 =	smov.u32 s30;
	s30 =	smov.u32 s6;
	s6 =	smov.u32 s20;
	v26 =	vpop (erf);
	[tilespmem:v29+s14+$0x0] =	vst.idx.msk $0xffff, v23;
	v19 =	vmul.f32 $1.442695020e+00, v33;
	(erf) = vpow2.f32 v31  }
0x267: {  	v24 =	vmul.f32 v24, v7;
	v31 =	vadd.s32 s28, v5;
	s28 =	smov.u32 s31;
	s31 =	smov.u32 s12;
	(erf) = vpow2.f32 v39;
	v23 =	vld [tilespmem:s16+$0x5700]  }
0x268: {  	v22 =	vmul.f32 v22, v15;
	v33 =	vadd.s32 s26, v3;
	v32 =	vpop (erf);
	(erf) = vpow2.f32 v19  }
0x269: {  	v35 =	vmul.f32 $1.442695020e+00, v35;
	v15 =	vpop (erf);
	(erf) = vpow2.f32 v34;
	[tilespmem:v13+s14+$0x0] =	vst.idx.msk $0xffff, v24;
	v13 =	vadd.s32 s29, v5;
	s29 =	smov.u32 s3;
	s3 =	smov.u32 s9  }
0x26a: {  	v19 =	vcvt.s32.f32 v38;
	v24 =	vadd.f32 $1.000000000e+00, v32;
	v29 =	vpop (erf);
	(erf) = vpow2.f32 v28  }
0x26b: {  	v39 =	vcvt.s32.f32 v36;
	v41 =	vadd.f32 $1.000000000e+00, v15;
	v28 =	vadd.f32 $1.000000000e+00, v29;
	v36 =	vpop (erf)  }
0x26c: {  	v40 =	vadd.f32 $1.000000000e+00, v26;
	v38 =	vmul.f32 $1.442695020e+00, v23;
	v27 =	vmul.f32 v36, v27  }
0x26d: {  	v43 =	vbroadcast v16, $0x0;
	v16 =	vadd.f32 v6, v22;
	(erf) = vrcp.f32 v41;
	v22 =	vpop (erf)  }
0x26e: {  	(erf) = vrcp.f32 v24;
	v34 =	vpop (erf);
	v18 =	vadd.f32 v27, v18;
	v22 =	vmul.f32 v22, v7  }
0x26f: {  	v44 =	vadd.s32 s1, v4;
	v36 =	vmul.f32 $8.000000000e+00, v16;
	(erf) = vpow2.f32 v35;
	v23 =	vpop (erf)  }
0x270: {  	v27 =	vadd.f32 $1.000000000e+00, v34;
	(erf) = vrcp.f32 v40;
	v24 =	vpop (erf);
	v35 =	vmul.f32 v23, v7;
	[tilespmem:v13+s14+$0x0] =	vst.idx.msk $0xffff, v22  }
0x271: {  	s4 =	sadd.s32 $0x30, s13;
	s13 =	smov.u32 s19;
	v46 =	vmul.f32 $8.000000000e+00, v18;
	(erf) = vrcp.f32 v28;
	v22 =	vadd.f32 $1.000000000e+00, v24;
	[tilespmem:v11+s14+$0x0] =	vst.idx.msk $0xffff, v36;
	v13 =	vpop (erf)  }
.Ltmp10:
0x272: {  	s4 =	sand.u32 $0xF0, s4;
	v23 =	vadd.s32 s26, v4;
	(erf) = vrcp.f32 v27;
	v16 =	vpop (erf);
	[tilespmem:v31+s14+$0x0] =	vst.idx.msk $0xffff, v35;
	v47 =	vmul.f32 v13, v7;
	(pc) =	sbr.rel @p0 .LBB2_18-.Ltmp10, $4  }
0x273: {  	v27 =	vcvt.s32.f32 v12;
	v13 =	vadd.s32 s1, v5;
	s1 =	smov.u32 s5;
	s5 =	sadd.s32 $0xFFFFF010, s20;
	v40 =	vld [tilespmem:s4+$0x5600];
	v28 =	vpop (erf);
	v31 =	vmul.f32 v16, v8;
	[tilespmem:v33+s14+$0x0] =	vst.idx.msk $0xffff, v46  }
0x274: {  	s12 =	sadd.s32 $0xFFFFF560, s20;
	s9 =	sadd.s32 $0xFFFFFAB0, s20;
	v11 =	vmovc v25;
	v35 =	vcvt.s32.f32 v20;
	v12 =	vmovc v37;
	v36 =	vadd.s32 s5, v1;
	v45 =	vadd.f32 $1.000000000e+00, v28;
	v41 =	vld [tilespmem:s8+$0x5700];
	[tilespmem:v42+s14+$0x0] =	vst.idx.msk $0xffff, v47  }
0x275: {  	v37 =	vadd.s32 s12, v1;
	v18 =	vmovc v43;
	v33 =	vadd.s32 s9, v1;
	v16 =	vmovc v39;
	(erf) = vrcp.f32 v22;
	[tilespmem:v44+s14+$0x0] =	vst.idx.msk $0xffff, v31  }
0x276: {  	s21 =	sadd.s32 $0x40, s21;
	s19 =	sadd.s32 $0x40, s19;
	v20 =	vadd.s32 s12, v4;
	s20 =	sadd.s32 $0x1540, s20;
	v31 =	vcvt.s32.f32 v30;
	v22 =	vpop (erf);
	(erf) = vrcp.f32 v45;
	v39 =	vld [tilespmem:s24+$0x5800]  }
0x277: {  	_ = 	snop  }
0x278: {  	(erf) = vpow2.f32 v38  }
0x279: {  	v25 =	vmul.f32 $1.442695020e+00, v41  }
0x27a: {  	v30 =	vpop (erf);
	v45 =	vmul.f32 $1.442695020e+00, v40  }
0x27b: {  	v46 =	vpop (erf);
	(erf) = vpow2.f32 v25  }
0x27c: {  	v47 =	vpop (erf);
	(erf) = vpow2.f32 v45  }
0x27d: {  	v48 =	vpop (erf)  }
0x27e: {  	v49 =	vpop (erf)  }
0x27f: {  	v50 =	vadd.s32 s29, v4;
	v25 =	vmul.f32 v47, v26;
	v51 =	vpop (erf)  }
0x280: {  	v52 =	vpop (erf)  }
0x281: {  	v21 =	vcvt.s32.f32 v21;
	v30 =	vmul.f32 v30, v32;
	v25 =	vadd.f32 v2, v25;
	v42 =	vpop (erf)  }
0x282: {  	v14 =	vbroadcast v14, $0x0;
	v53 =	vmul.f32 v42, v8  }
0x283: {  	v21 =	vadd.f32 v21, v30;
	v34 =	vmul.f32 v49, v34;
	v25 =	vmul.f32 $8.000000000e+00, v25  }
0x284: {  	v55 =	vadd.s32 s1, v3;
	v54 =	vmul.f32 v46, v8;
	v29 =	vmul.f32 v48, v29;
	[tilespmem:v50+s14+$0x0] =	vst.idx.msk $0xffff, v53;
	v56 =	vpop (erf)  }
0x285: {  	s21 =	sand.u32 $0xC0, s13;
	v39 =	vmul.f32 $1.442695020e+00, v39;
	v21 =	vmul.f32 $8.000000000e+00, v21;
	v14 =	vadd.f32 v34, v14;
	[tilespmem:v36+s14+$0x0] =	vst.idx.msk $0xffff, v25;
	v57 =	vld [tilespmem:s16+$0x5800];
	v58 =	vpop (erf)  }
0x286: {  	s17 =	sadd.s32 $0x10, s13;
	[tilespmem:v10+s14+$0x0] =	vst.idx.msk $0xffff, v54;
	v59 =	vadd.f32 v35, v29;
	v60 =	vld [tilespmem:s21+$0x5600];
	v61 =	vmul.f32 v56, v8;
	v62 =	vadd.f32 $1.000000000e+00, v58  }
0x287: {  	s18 =	sand.u32 $0xD0, s17;
	v63 =	vld [tilespmem:s15+$0x5800];
	[tilespmem:v37+s14+$0x0] =	vst.idx.msk $0xffff, v21;
	(erf) = vpow2.f32 v39;
	v14 =	vmul.f32 $8.000000000e+00, v14  }
0x288: {  	v37 =	vld [tilespmem:s18+$0x5600];
	v10 =	vmul.f32 $8.000000000e+00, v59;
	[tilespmem:v23+s14+$0x0] =	vst.idx.msk $0xffff, v61;
	(erf) = vrcp.f32 v62  }
0x289: {  	s23 =	sadd.s32 $0x20, s13;
	[tilespmem:v55+s14+$0x0] =	vst.idx.msk $0xffff, v14;
	v38 =	vld [tilespmem:s8+$0x5800]  }
0x28a: {  	s24 =	sand.u32 $0xE0, s23;
	v39 =	vmul.f32 v51, v24;
	[tilespmem:v33+s14+$0x0] =	vst.idx.msk $0xffff, v10;
	v40 =	vld [tilespmem:s10+$0x5700];
	v41 =	vmul.f32 $1.442695020e+00, v57  }
0x28b: {  	v28 =	vmul.f32 v52, v28;
	v43 =	vld [tilespmem:s24+$0x5600];
	v21 =	vmul.f32 $1.442695020e+00, v60  }
0x28c: {  	v44 =	vmul.f32 $1.442695020e+00, v63;
	(erf) = vpow2.f32 v41  }
0x28d: {  	v42 =	vmul.f32 $1.442695020e+00, v37;
	(erf) = vpow2.f32 v21  }
0x28e: {  	v45 =	vadd.s32 s31, v3;
	v14 =	vmul.f32 $1.442695020e+00, v38;
	(erf) = vpow2.f32 v44  }
0x28f: {  	v23 =	vadd.f32 v27, v39;
	v24 =	vmul.f32 $1.442695020e+00, v40;
	(erf) = vpow2.f32 v42  }
0x290: {  	v46 =	vmul.f32 $1.442695020e+00, v43;
	v10 =	vpop (erf);
	(erf) = vpow2.f32 v14  }
0x291: {  	v47 =	vmul.f32 $8.000000000e+00, v23;
	(erf) = vpow2.f32 v24;
	v48 =	vpop (erf)  }
0x292: {  	v49 =	vadd.s32 s3, v3;
	(erf) = vpow2.f32 v46;
	v23 =	vmul.f32 v48, v58  }
0x293: {  	v51 =	vmul.f32 v22, v15;
	v52 =	vadd.s32 s30, v3;
	v50 =	vadd.f32 v31, v28;
	[tilespmem:v45+s14+$0x0] =	vst.idx.msk $0xffff, v47  }
0x294: {  	v53 =	vld [tilespmem:s0+$0x5700];
	v54 =	vadd.f32 v23, v18  }
0x295: {  	v55 =	vmul.f32 $8.000000000e+00, v50;
	v56 =	vadd.f32 v6, v51;
	v14 =	vpop (erf)  }
0x296: {  	v57 =	vpop (erf);
	v58 =	vmul.f32 $8.000000000e+00, v54  }
0x297: {  	[tilespmem:v49+s14+$0x0] =	vst.idx.msk $0xffff, v55;
	v59 =	vmul.f32 $8.000000000e+00, v56;
	v15 =	vpop (erf)  }
0x298: {  	s25 =	sadd.s32 $0x30, s13;
	v60 =	vld [tilespmem:s7+$0x5700];
	v61 =	vpop (erf);
	[tilespmem:v52+s14+$0x0] =	vst.idx.msk $0xffff, v58  }
0x299: {  	s13 =	sand.u32 $0xF0, s25;
	[tilespmem:v11+s14+$0x0] =	vst.idx.msk $0xffff, v59;
	v62 =	vmul.f32 $1.442695020e+00, v53;
	v11 =	vpop (erf);
	v63 =	vld [tilespmem:s4+$0x5700]  }
0x29a: {  	v34 =	vld [tilespmem:s13+$0x5600];
	v32 =	vadd.f32 $1.000000000e+00, v57;
	v33 =	vpop (erf)  }
0x29b: {  	(erf) = vpow2.f32 v62;
	v35 =	vadd.f32 $1.000000000e+00, v61;
	v36 =	vpop (erf)  }
0x29c: {  	(erf) = vrcp.f32 v32;
	v37 =	vadd.f32 $1.000000000e+00, v36  }
0x29d: {  	v23 =	vmul.f32 $1.442695020e+00, v60;
	(erf) = vrcp.f32 v35  }
0x29e: {  	(erf) = vrcp.f32 v37;
	v18 =	vmul.f32 $1.442695020e+00, v63  }
0x29f: {  	v38 =	vadd.s32 s1, v4;
	v39 =	vmul.f32 $1.442695020e+00, v34;
	(erf) = vpow2.f32 v23  }
0x2a0: {  	(erf) = vpow2.f32 v18  }
0x2a1: {  	(erf) = vpow2.f32 v39  }
0x2a2: {  	v40 =	vmul.f32 v33, v8;
	_ =	sdelay $0x1  }
0x2a3: {  	[tilespmem:v38+s14+$0x0] =	vst.idx.msk $0xffff, v40;
	v41 =	vpop (erf)  }
0x2a4: {  	v21 =	vld [tilespmem:s10+$0x5800];
	v42 =	vpop (erf)  }
0x2a5: {  	v43 =	vpop (erf)  }
0x2a6: {  	v44 =	vpop (erf)  }
0x2a7: {  	v45 =	vpop (erf)  }
0x2a8: {  	v46 =	vpop (erf)  }
0x2a9: {  	v21 =	vmul.f32 $1.442695020e+00, v21;
	v47 =	vpop (erf)  }
0x2aa: {  	v48 =	vadd.f32 $1.000000000e+00, v47  }
0x2ab: {  	(erf) = vpow2.f32 v21  }
0x2ac: {  	(erf) = vrcp.f32 v48;
	_ =	sdelay $0x2  }
0x2ad: {  	v12 =	vcvt.s32.f32 v12;
	v49 =	vadd.s32 s3, v4  }
0x2ae: {  	v17 =	vcvt.s32.f32 v17;
	v19 =	vbroadcast v19, $0x0  }
0x2af: {  	v50 =	vadd.s32 s30, v4;
	v51 =	vadd.s32 s5, v3;
	v22 =	vmul.f32 v42, v57  }
0x2b0: {  	v52 =	vadd.s32 s12, v3;
	v23 =	vmul.f32 v43, v61;
	v27 =	vmul.f32 v45, v8  }
0x2b1: {  	v18 =	vmul.f32 v41, v8;
	v19 =	vadd.f32 v22, v19;
	v53 =	vmul.f32 v44, v36  }
0x2b2: {  	v55 =	vadd.s32 s9, v3;
	v12 =	vadd.f32 v12, v23;
	[tilespmem:v49+s14+$0x0] =	vst.idx.msk $0xffff, v27;
	v54 =	vmul.f32 v46, v8;
	v26 =	vpop (erf)  }
0x2b3: {  	v16 =	vbroadcast v16, $0x0;
	[tilespmem:v9+s14+$0x0] =	vst.idx.msk $0xffff, v18;
	v57 =	vmul.f32 $8.000000000e+00, v19;
	v17 =	vadd.f32 v17, v53;
	v58 =	vld [tilespmem:s7+$0x5800];
	v56 =	vpop (erf)  }
0x2b4: {  	v60 =	vld [tilespmem:s0+$0x5800];
	v12 =	vmul.f32 $8.000000000e+00, v12;
	[tilespmem:v50+s14+$0x0] =	vst.idx.msk $0xffff, v54;
	v59 =	vmul.f32 v56, v47  }
0x2b5: {  	v61 =	vadd.s32 s6, v3;
	[tilespmem:v51+s14+$0x0] =	vst.idx.msk $0xffff, v57;
	v17 =	vmul.f32 $8.000000000e+00, v17;
	v62 =	vld [tilespmem:s4+$0x5800]  }
0x2b6: {  	v63 =	vld [tilespmem:s21+$0x5700];
	[tilespmem:v52+s14+$0x0] =	vst.idx.msk $0xffff, v12;
	v16 =	vadd.f32 v59, v16  }
0x2b7: {  	v12 =	vld [tilespmem:s18+$0x5700];
	[tilespmem:v55+s14+$0x0] =	vst.idx.msk $0xffff, v17  }
0x2b8: {  	v27 =	vld [tilespmem:s24+$0x5700];
	v25 =	vmul.f32 $1.442695020e+00, v58;
	v16 =	vmul.f32 $8.000000000e+00, v16  }
0x2b9: {  	v28 =	vmul.f32 $1.442695020e+00, v60  }
0x2ba: {  	(erf) = vpow2.f32 v25;
	v9 =	vmul.f32 $1.442695020e+00, v62;
	[tilespmem:v61+s14+$0x0] =	vst.idx.msk $0xffff, v16  }
0x2bb: {  	v29 =	vmul.f32 $1.442695020e+00, v63;
	(erf) = vpow2.f32 v28;
	v16 =	vld [tilespmem:s13+$0x5700]  }
0x2bc: {  	v30 =	vmul.f32 $1.442695020e+00, v12;
	(erf) = vpow2.f32 v9  }
0x2bd: {  	v31 =	vmul.f32 $1.442695020e+00, v27;
	(erf) = vpow2.f32 v29  }
0x2be: {  	(erf) = vpow2.f32 v30  }
0x2bf: {  	(erf) = vpow2.f32 v31  }
0x2c0: {  	v32 =	vmul.f32 $1.442695020e+00, v16;
	_ =	sdelay $0x1  }
0x2c1: {  	(erf) = vpow2.f32 v32  }
0x2c2: {  	v33 =	vpop (erf)  }
0x2c3: {  	v34 =	vpop (erf)  }
0x2c4: {  	v35 =	vadd.s32 s5, v4;
	v36 =	vpop (erf)  }
0x2c5: {  	v38 =	vadd.s32 s9, v4;
	v37 =	vpop (erf)  }
0x2c6: {  	v39 =	vpop (erf)  }
0x2c7: {  	v18 =	vmul.f32 v37, v8;
	v41 =	vpop (erf)  }
0x2c8: {  	v40 =	vadd.s32 s6, v4;
	v23 =	vmul.f32 v41, v8  }
0x2c9: {  	v42 =	vmul.f32 v39, v8;
	[tilespmem:v35+s14+$0x0] =	vst.idx.msk $0xffff, v18  }
0x2ca: {  	v44 =	vld [tilespmem:s21+$0x5800];
	[tilespmem:v38+s14+$0x0] =	vst.idx.msk $0xffff, v23;
	v43 =	vpop (erf)  }
0x2cb: {  	[tilespmem:v20+s14+$0x0] =	vst.idx.msk $0xffff, v42;
	v45 =	vld [tilespmem:s24+$0x5800];
	v8 =	vmul.f32 v43, v8  }
0x2cc: {  	v46 =	vld [tilespmem:s18+$0x5800]  }
0x2cd: {  	[tilespmem:v40+s14+$0x0] =	vst.idx.msk $0xffff, v8  }
0x2ce: {  	v8 =	vld [tilespmem:s13+$0x5800]  }
0x2cf: {  	v47 =	vmul.f32 $1.442695020e+00, v44  }
0x2d0: {  	v16 =	vmul.f32 $1.442695020e+00, v45  }
0x2d1: {  	v50 =	vadd.s32 s26, v5;
	v18 =	vmul.f32 $1.442695020e+00, v46;
	(erf) = vpow2.f32 v47  }
0x2d2: {  	v10 =	vmul.f32 v10, v7;
	v49 =	vadd.s32 s28, v5;
	(erf) = vpow2.f32 v16  }
0x2d3: {  	v48 =	vadd.s32 s29, v5;
	(erf) = vpow2.f32 v18;
	v8 =	vmul.f32 $1.442695020e+00, v8  }
0x2d4: {  	v11 =	vmul.f32 v11, v7;
	v51 =	vadd.s32 s1, v5  }
0x2d5: {  	[tilespmem:v13+s14+$0x0] =	vst.idx.msk $0xffff, v10;
	v52 =	vadd.s32 s3, v5;
	(erf) = vpow2.f32 v8;
	v8 =	vmul.f32 v15, v7  }
0x2d6: {  	v14 =	vmul.f32 v14, v7;
	v53 =	vadd.s32 s31, v5;
	[tilespmem:v50+s14+$0x0] =	vst.idx.msk $0xffff, v11  }
0x2d7: {  	v54 =	vmul.f32 v26, v7;
	[tilespmem:v49+s14+$0x0] =	vst.idx.msk $0xffff, v8;
	v8 =	vadd.s32 s30, v5  }
0x2d8: {  	[tilespmem:v48+s14+$0x0] =	vst.idx.msk $0xffff, v14;
	v9 =	vmul.f32 v33, v7  }
0x2d9: {  	v55 =	vadd.s32 s5, v5;
	[tilespmem:v51+s14+$0x0] =	vst.idx.msk $0xffff, v54;
	v12 =	vmul.f32 v34, v7  }
0x2da: {  	v59 =	vadd.s32 s12, v5;
	[tilespmem:v52+s14+$0x0] =	vst.idx.msk $0xffff, v9;
	v57 =	vmul.f32 v36, v7;
	v58 =	vpop (erf)  }
0x2db: {  	v56 =	vadd.s32 s9, v5;
	[tilespmem:v53+s14+$0x0] =	vst.idx.msk $0xffff, v12;
	v61 =	vpop (erf)  }
0x2dc: {  	v60 =	vadd.s32 s6, v5;
	v10 =	vmul.f32 v58, v7;
	v62 =	vpop (erf);
	[tilespmem:v8+s14+$0x0] =	vst.idx.msk $0xffff, v57  }
0x2dd: {  	v9 =	vmul.f32 v62, v7;
	s29 =	rddreg [dreg:$0xf]  }
0x2de: {  	v8 =	vmul.f32 v61, v7;
	s30 =	rddreg [dreg:$0x10];
	[tilespmem:v55+s14+$0x0] =	vst.idx.msk $0xffff, v10;
	v63 =	vpop (erf)  }
0x2df: {  	[tilespmem:v59+s14+$0x0] =	vst.idx.msk $0xffff, v9;
	s0 =	sor.u32 s30, s29;
	v7 =	vmul.f32 v63, v7  }
0x2e0: {  	[tilespmem:v56+s14+$0x0] =	vst.idx.msk $0xffff, v8;
	s0 =	smul.u32 $0x5500, s0  }
.Ltmp11:
0x2e1: {  	[tilespmem:v60+s14+$0x0] =	vst.idx.msk $0xffff, v7;
	(pc) =	sbr.rel @p1 .LBB2_23-.Ltmp11, $4  }
0x2e2: {  	s0 =	sshrl.u32 s0, $0x3;
	s17 =	rddreg [dreg:$0x3]  }
0x2e3: {  	s31 =	simm.s32 $0x0;
	s0 =	sadd.s32 s17, s0  }
0x2e4: {  	[hbm4b:s0+s31] =	stream.linear.scatter [tilespmem:s14], [sflag:$0x4], $0x5500, $0x38;
	[tilespmem:$0x15400] =	vst v63  }
0x2e5: {  	s0 =	simm.s32 $0x5500  }
0x2e6: {  	s1 =	simm.s32 $0x200;
	s4 =	sadd.s32 $0x0, s22;
	s3 =	simm.s32 $0x5600  }
.LBB2_21:
0x2e7: {  	[tilespmem:s0], [sflag:$0x2] =	stream.linear.gather [hbm4b:s4+s2], $0x100, $0x38;
	[tilespmem:$0x15400] =	vst v63  }
0x2e8: {  	s4 =	smov.u32 s1;
	s0 =	smov.u32 s3;
	p0 =	sne.s32 s1, $0xA800  }
.Ltmp12:
0x2e9: {  	s1 =	sadd.s32 $0x200, s1;
	(pc) =	sbr.rel @p0 .LBB2_21-.Ltmp12, $2  }
0x2ea: {  	_ =	sdelay $0x2  }
0x2eb: {  	s3 =	sadd.s32 $0x100, s3;
	s4 =	sadd.s32 s4, s22  }
0x2ec: {  	[tilespmem:s0], [sflag:$0x2] =	stream.linear.gather [hbm4b:s4+s2], $0x100, $0x38;
	[tilespmem:$0x15400] =	vst v63  }
0x2ed: {  	s9 =	rddreg [dreg:$0xe]  }
.Ltmp13:
0x2ee: {  	s7 =	rddreg [dreg:$0xa];
	(pc) =	sbr.rel .LBB2_6-.Ltmp13, $4  }
0x2ef: {  	s30 =	rddreg [dreg:$0xd]  }
0x2f0: {  	s31 =	rddreg [dreg:$0xc]  }
0x2f1: {  	s3 =	rddreg [dreg:$0xb];
	s9 =	sadd.s32 $0x1, s9;
	s7 =	sadd.s32 $0x1, s7  }
0x2f2: {  	s0 =	sadd.s32 $0x2, s30;
	s4 =	sadd.s32 $0x1, s31;
	s3 =	sadd.s32 $0x2, s3  }
.LBB2_24:
0x2f3: {  	_ =	sfence.sel $0x180000  }
0x2f4: {  	[bflag:$0x0] =	sbarrier.arrive $0xFFFF  }
0x2f5: {  	_ =	strace $0x90000047  }
0x2f6: {  	s0 =	stileid.u32;
	[bflag:$0x2] =	sbarrier.arrive $0xFFFF  }
0x2f7: {  	p0 =	sne.s32 s0, $0x0;
	s0 =	rddreg [dreg:$0x2]  }
0x2f8: {  	s0 =	sadd.s32 @!p0 $0x100000, s0  }
0x2f9: {  	[sflag:s0] =	ssyncadd.tile.s32 @!p0 $0x1;
	_ =	shalt  }
.Lfunc_end2:
_tile_overlayer_lowered:
.L_overlay_start_2:
0x2fa: {  	(tag) =	ssettag $0x2  }
0x2fb: {  	s0 =	rddreg [dreg:$0x0];
	s2 =	stileid.u32  }
0x2fc: {  	s1 =	rddreg [dreg:$0x1];
	p0 =	sne.s32 s2, $0x0  }
0x2fd: {  	s3 =	rddreg [dreg:$0x2];
	[bflag:$0x3] =	sbarrier.arrive $0xFFFF;
	s2 =	simm.s32 @!p0 $0x1C05  }
0x2fe: {  	[timem:s3], [sflag:s2] =	dma.local @!p0 [hbm:s0], s1  }
0x2ff: {  	s0 =	simm.s32 @!p0 $0x5  }
0x300: {  	_ =	swait.ge @!p0 [sflag:s0], s1  }
0x301: {  	s1 =	ssub.s32 @!p0 $0x0, s1;
	[sflag:s0] =	ssyncset.done @!p0 $0x0  }
0x302: {  	[sflag:s0] =	ssyncadd.s32 @!p0 s1  }
0x303: {  	[bflag:$0x3] =	sbarrier.arrive $0xFFFF  }
0x304: {  	_ =	shalt  }

// kernel: sparse-core-data-format-call.cloned.1.call-start
scs
called_computation_lowered:
.L_overlay_start_0:
0x0: {  	s2 =	sld [smem:$0x3FD9]  }
0x1: {  	s3 =	sld [smem:$0x3FFE];
	_ =	sdelay $0x1  }
0x2: {  	s1 =	srdreg.scid  }
0x3: {  	s0 =	sand.u32 $0x1, s1  }
0x4: {  	s18 =	sshll.u32 s0, $0xA;
	s2 =	sadd.s32 s3, s2  }
0x5: {  	s2 =	sadd.s32 s2, s18  }
0x6: {  	[smem:$0x3FC7] =	sst s2  }
0x7: {  	_ = 	snop  }
0x8: {  	s2 =	sld [smem:$0x3FD0];
	(tm) =	ssettm $0x1  }
0x9: {  	s19 =	sld [smem:$0x3FFB];
	_ =	sdelay $0x3  }
0xa: {  	_ =	strace s19  }
0xb: {  	s3 =	sld [smem:$0x3FFC];
	_ =	sdelay $0x3  }
0xc: {  	_ =	strace s3  }
0xd: {  	s3 =	sld [smem:$0x3FFD];
	_ =	sdelay $0x3  }
0xe: {  	_ =	strace s3  }
0xf: {  	_ =	strace $0x8FFFFFFF  }
0x10: {  	s20 =	sld [smem:$0x3FDB];
	_ =	sdelay $0x1  }
0x11: {  	s4 =	simm.s32 $_scs_section_size  }
0x12: {  	s5 =	simm.s32 $_size__tile_overlayer_lowered;
	s6 =	simm.s32 $_tile_overlayer_lowered  }
0x13: {  	s23 =	simm.s32 $0x1BFF;
	s22 =	sshll.u32 s6, $0x1;
	s3 =	sadd.s32 s4, s20  }
0x14: {  	s7 =	simm.s32 $0x0;
	s21 =	sshll.u32 s5, $0x1;
	s5 =	sadd.s32 s22, s3  }
0x15: {  	[timem:s7], [sflag:s23] =	dma.local [hbm:s5], s21  }
0x16: {  	_ =	swait.ge [sflag:s23], s21  }
0x17: {  	s4 =	ssub.s32 $0x0, s21;
	[sflag:s23] =	ssyncset.done $0x0  }
0x18: {  	[sflag:s23] =	ssyncadd.s32 s4;
	_ =	sdelay $0x1  }
0x19: {  	s24 =	simm.s32 $0x1B8B  }
0x1a: {  	_ =	swait.ge [sflag:s24], $0x1  }
0x1b: {  	[sflag:s24] =	ssyncset.done $0x0  }
0x1c: {  	s26 =	simm.s32 $0x1B8E;
	s25 =	sld [smem:$0x3FFE];
	[sflag:s24] =	ssyncadd.s32 $0xFFFFFFFF  }
0x1d: {  	s27 =	simm.s32 $execute0_lowered;
	[smem:$0x3FD2] =	sst s26  }
0x1e: {  	s5 =	sshll.u32 s27, $0x1;
	_ =	strace $0x80000049;
	[dreg:$0x1] =	wrdreg $0xFFFFFFFF  }
0x1f: {  	s28 =	simm.s32 $_size_execute0_lowered;
	s3 =	sadd.s32 s3, s5;
	[dreg:$0x0] =	wrdreg $0x0  }
0x20: {  	s5 =	sshll.u32 s28, $0x1;
	[dreg:$0x2] =	wrdreg s3  }
0x21: {  	[dreg:$0x3] =	wrdreg s5  }
0x22: {  	[dreg:$0x4] =	wrdreg $0xC0  }
0x23: {  	_ =	task [dreg:s7], $0x5FFFF  }
0x24: {  	[dreg:$0x1] =	wrdreg $0xFFFFFFFF  }
0x25: {  	[dreg:$0x0] =	wrdreg $0x60  }
0x26: {  	[dreg:$0x2] =	wrdreg s25  }
0x27: {  	[dreg:$0x3] =	wrdreg s2  }
0x28: {  	[dreg:$0x4] =	wrdreg $0x9  }
0x29: {  	_ =	task.clear_ibuf [dreg:s7], $0x5FFFF;
	_ =	strace $0x90000049  }
0x2a: {  	s29 =	simm.s32 $0x9;
	_ =	strace $0x8000004B  }
0x2b: {  	_ =	swait.ge [sflag:s29], $0x1  }
0x2c: {  	[sflag:s29] =	ssyncadd.s32 $0xFFFFFFFF  }
0x2d: {  	_ =	strace $0x9000004B  }
0x2e: {  	_ =	sfence  }
0x2f: {  	s30 =	sld [smem:$0x0];
	_ =	sdelay $0x2  }
0x30: {  	s31 =	sshll.u32 s1, $0xD;
	s1 =	sshrl.u32 s1, $0x2  }
0x31: {  	s3 =	sand.u32 $0x4000, s31;
	s1 =	sadd.s32 s1, s30  }
0x32: {  	s0 =	sor.u32 s3, s0;
	s1 =	sshll.u32 s1, $0x11  }
0x33: {  	s0 =	sor.u32 s1, s0  }
0x34: {  	s0 =	sadd.s32 $0x8F2B, s0  }
0x35: {  	[sflag:s0] =	ssyncadd.remote.s32 $0x1  }
0x36: {  	_ =	sfence.sel $0xFFFF  }
0x37: {  	[dreg:$0x0] =	wrdreg $0xFFFFFFFF;
	(pc) =	sbr.abs _section_cstart, $3  }
0x38: {  	[dreg:$0x1] =	wrdreg $0xFFFFFFFF  }
0x39: {  	_ =	task.clear_ibuf [dreg:s7], $0x2FFFF;
	_ =	strace $0x9FFFFFFF  }
0x3a: {  	(tm) =	ssettm $0x7FFFFFFF  }
0x3b: {  	_ =	shalt  }
tec
execute0_lowered:
.L_overlay_start_1:
0x0: {  	(tag) =	ssettag $0x1  }
0x1: {  	s1 =	rddreg [dreg:$0x0]  }
0x2: {  	s2 =	rddreg [dreg:$0x1]  }
0x3: {  	s0 =	rddreg [dreg:$0x2]  }
0x4: {  	s4 =	srdreg.scid;
	_ =	strace $0x8000004A;
	s6 =	simm.s32 $0x2  }
0x5: {  	s12 =	simm.s32 $0x0;
	p0 =	por $0x0, $0x0;
	s13 =	simm.s32 $0x0  }
.Ltmp0:
0x6: {  	s8 =	simm.s32 $0x0;
	s9 =	simm.s32 $0x0;
	(pc) =	sbr.rel .LBB1_1-.Ltmp0, $4  }
0x7: {  	s10 =	simm.s32 $0x0;
	s3 =	sadd.s32 $0x3FC800, s1;
	s4 =	sshll.u32 s4, $0x4  }
0x8: {  	s1 =	stileid.u32;
	s5 =	sand.u32 $0x10, s4;
	s4 =	simm.s32 $0x1  }
0x9: {  	s7 =	simm.s32 $0x0;
	s5 =	sor.u32 s1, s5;
	[sflag:s4] =	ssyncpa.u1 $0x0  }
0xa: {  	[sflag:s6] =	ssyncpa.u1 $0x0;
	s6 =	simm.s32 $0x60000;
	s11 =	smov.u32 s5  }
.LBB1_5:
0xb: {  	p1 =	slt.u32 s7, $0x2  }
0xc: {  	s15 =	smov.u32 s13;
	p2 =	sgt.s32 @!p1 s13, $0x1F;
	s14 =	sshra.s32 @!p1 s13, $0x1F  }
0xd: {  	p3 =	sgt.s32 @!p1 s12, $0x2F80;
	s16 =	sshra.s32 @!p1 s12, $0x1F;
	p2 =	por !p2, p1  }
0xe: {  	s13 =	sand.u32 @!p1 s14, s13;
	p3 =	por !p3, p1;
	s14 =	smov.u32 s12  }
0xf: {  	s12 =	sand.u32 @!p1 s16, s12;
	s15 =	simm.s32 @p2 $0x1F;
	s14 =	simm.s32 @p3 $0x2F80  }
0x10: {  	s16 =	smov.u32 s11;
	s13 =	ssub.s32 @!p1 s15, s13;
	s12 =	ssub.s32 @!p1 s14, s12  }
0x11: {  	s14 =	sadd.s32 @!p1 $0xFFFFFFE1, s13;
	s13 =	ssub.s32 @!p1 $0x20, s13;
	s15 =	sadd.s32 @!p1 $0xFFFFD080, s12  }
0x12: {  	p2 =	sgt.s32 @!p1 s14, $0x0;
	s13 =	smul.u32 @!p1 $0x55, s13;
	p3 =	sgt.s32 @!p1 s15, $0x7F  }
0x13: {  	s12 =	ssub.s32 @!p1 $0x3000, s12;
	p2 =	por !p2, p1;
	p3 =	por !p3, p1  }
0x14: {  	s14 =	sadd.s32 $0x80, s10;
	s13 =	simm.s32 @!p2 $0x0;
	s12 =	simm.s32 @!p3 $0x0  }
0x15: {  	p2 =	sgt.s32 s14, $0x2FFF;
	s12 =	smul.u32 @!p1 s12, s13;
	s13 =	sadd.s32 $0x20, s11  }
0x16: {  	s16 =	smov.u32 @p2 s13  }
0x17: {  	s7 =	sadd.s32 $0x1, s7;
	s14 =	simm.s32 @p2 $0x0;
	p2 =	sgt.s32 s16, $0x1F  }
0x18: {  	s16 =	smov.u32 @p2 s5;
	p2 =	sne.s32 s7, $0x62  }
.Ltmp1:
0x19: {  	p0 =	por !p0, !p0;
	(pc) =	sbr.rel @!p2 .LBB1_6-.Ltmp1, $4  }
0x1a: {  	s15 =	simm.s32 @!p1 $0x2;
	s13 =	smov.u32 s9;
	s12 =	sand.u32 @!p1 $0x3FFFFFFF, s12  }
0x1b: {  	s9 =	smov.u32 s11;
	_ =	swait.ge @!p1 [sflag:s15], s12;
	s17 =	ssub.s32 @!p1 $0x0, s12  }
0x1c: {  	s12 =	smov.u32 s8;
	s8 =	smov.u32 s10;
	[sflag:s15] =	ssyncset.done @!p1 $0x0  }
0x1d: {  	s10 =	smov.u32 s14;
	s11 =	smov.u32 s16;
	[sflag:s15] =	ssyncadd.s32 @!p1 s17  }
.LBB1_1:
0x1e: {  	p1 =	sgt.u32 s7, $0x5F  }
0x1f: {  	s14 =	sand.u32 @!p1 $0x1FFFFFF, s10  }
0x20: {  	s15 =	smulhi.u32 @!p1 $0xAAAAAB, s14;
	_ =	sdelay $0x1  }
0x21: {  	s15 =	sshrl.u32 @!p1 s15, $0x5  }
0x22: {  	s15 =	smul.u32 @!p1 $0x3000, s15  }
0x23: {  	s16 =	smul.u32 @!p1 $0x30000, s11  }
0x24: {  	s14 =	ssub.s32 @!p1 s14, s15;
	s15 =	sxor.u32 @!p1 $0xFFFFFFFF, s7  }
0x25: {  	s16 =	sadd.s32 @!p1 s3, s16;
	s15 =	sshll.u32 @!p1 s15, $0xE;
	s14 =	sshll.u32 @!p1 s14, $0x4  }
0x26: {  	s15 =	sand.u32 @!p1 $0x4000, s15;
	s14 =	sadd.s32 @!p1 s14, s16;
	s16 =	simm.s32 @!p1 $0x0  }
0x27: {  	[tilespmem:s15], [sflag:$0x1] =	stream.linear.gather @!p1 [hbm4b:s14+s16], $0x4000, $0x38;
	[tilespmem:$0x10100] =	vst v63  }
0x28: {  	p1 =	seq.s32 s7, $0x0  }
0x29: {  	p2 =	seq.s32 @!p1 s7, $0x61  }
0x2a: {  	p1 =	por p1, p2  }
.Ltmp2:
0x2b: {  	_ = 	snop;
	(pc) =	sbr.rel @p1 .LBB1_5-.Ltmp2, $1  }
0x2c: {  	_ =	sdelay $0x3  }
0x2d: {  	s14 =	simm.s32 $0x1  }
0x2e: {  	_ =	swait.ge [sflag:s4], $0x4000;
	s14 =	simm.s32 @!p0 $0x0  }
0x2f: {  	[sflag:s4] =	ssyncset.done $0x0;
	s15 =	sshll.u32 s14, $0xE  }
0x30: {  	[sflag:s4] =	ssyncadd.s32 $0xFFFFC000;
	s15 =	sor.u32 $0x40, s15  }
0x31: {  	s14 =	smul.u32 $0x10200, s14;
	v0 =	vld [tilespmem:s15+$0x30]  }
0x32: {  	v1 =	vld [tilespmem:s15+$0xFFFFFFD0]  }
0x33: {  	s14 =	sshrl.u32 s14, $0x2;
	v5 =	vld [tilespmem:s15+$0xFFFFFFE0]  }
0x34: {  	v6 =	vld [tilespmem:s15+$0xFFFFFFF0];
	s17 =	sor.u32 $0x8000, s14  }
0x35: {  	s31 =	sand.u32 $0x1, s7;
	v4 =	vld [tilespmem:s15+$0x0];
	s16 =	sadd.s32 $0x0, s17  }
0x36: {  	v3 =	vld [tilespmem:s15+$0x10];
	s14 =	smul.u32 $0x10200, s31;
	[tilespmem:s16+$0x3870 ss:$0x81] =	vst.msk $0xffff, v0  }
0x37: {  	v2 =	vld [tilespmem:s15+$0x20];
	[tilespmem:s16+$0x810 ss:$0x81] =	vst.msk $0xffff, v1  }
0x38: {  	s14 =	sshrl.u32 s14, $0x2;
	v1 =	vld [tilespmem:s15+$0xFFFFFFC0];
	[tilespmem:s16+$0x1020 ss:$0x81] =	vst.msk $0xffff, v5;
	s15 =	sadd.s32 $0x80, s15  }
0x39: {  	s18 =	simm.s32 $0x4;
	s19 =	simm.s32 $0x8;
	s14 =	sor.u32 $0x8000, s14;
	[tilespmem:s16+$0x1830 ss:$0x81] =	vst.msk $0xffff, v6;
	v0 =	vld [tilespmem:s15+$0x30]  }
.LBB1_3:
0x3a: {  	p1 =	sne.s32 s19, $0x1FC;
	v5 =	vld [tilespmem:s15+$0xFFFFFFD0];
	[tilespmem:s16+$0x2040 ss:$0x81] =	vst.msk $0xffff, v4  }
0x3b: {  	v6 =	vld [tilespmem:s15+$0xFFFFFFE0];
	[tilespmem:s16+$0x2850 ss:$0x81] =	vst.msk $0xffff, v3  }
0x3c: {  	s20 =	sshra.s32 s18, $0x2;
	s18 =	smov.u32 s19;
	v7 =	vld [tilespmem:s15+$0xFFFFFFF0];
	[tilespmem:s16+$0x3060 ss:$0x81] =	vst.msk $0xffff, v2  }
.Ltmp3:
0x3d: {  	v4 =	vld [tilespmem:s15+$0x0];
	[tilespmem:s16+$0x0 ss:$0x81] =	vst.msk $0xffff, v1;
	s16 =	sadd.s32 s20, s17;
	(pc) =	sbr.rel @p1 .LBB1_3-.Ltmp3, $4  }
0x3e: {  	v3 =	vld [tilespmem:s15+$0x10];
	[tilespmem:s16+$0x3870 ss:$0x81] =	vst.msk $0xffff, v0  }
0x3f: {  	[tilespmem:s16+$0x810 ss:$0x81] =	vst.msk $0xffff, v5;
	v2 =	vld [tilespmem:s15+$0x20]  }
0x40: {  	v1 =	vld [tilespmem:s15+$0xFFFFFFC0];
	[tilespmem:s16+$0x1020 ss:$0x81] =	vst.msk $0xffff, v6;
	s15 =	sadd.s32 $0x80, s15  }
0x41: {  	s19 =	sadd.s32 $0x4, s19;
	v0 =	vld [tilespmem:s15+$0x30];
	[tilespmem:s16+$0x1830 ss:$0x81] =	vst.msk $0xffff, v7  }
0x42: {  	s19 =	sshrl.u32 s9, $0x3;
	s20 =	sshll.u32 s8, $0x3;
	s21 =	sshll.u32 s9, $0x7  }
0x43: {  	s22 =	sand.u32 $0x7F, s8;
	s18 =	sshra.s32 s18, $0x2;
	p1 =	sgt.s32 s9, $0x1F  }
0x44: {  	s24 =	sshra.s32 s9, $0x1F;
	s19 =	smul.u32 $0x18000, s19;
	s20 =	sand.u32 $0xFFFFFC00, s20  }
0x45: {  	s21 =	sand.u32 $0x380, s21;
	s17 =	sadd.s32 s18, s17;
	s18 =	smov.u32 s9  }
0x46: {  	v5 =	vld [tilespmem:s15+$0xFFFFFFD0];
	s22 =	sor.u32 s22, s21;
	s18 =	simm.s32 @!p1 $0x1F;
	s19 =	sadd.s32 s19, s20  }
0x47: {  	[tilespmem:s16+$0x2040 ss:$0x81] =	vst.msk $0xffff, v4;
	v58 =	vld [tilespmem:s15+$0xFFFFFFE0];
	p1 =	sgt.s32 s8, $0x2F80;
	s20 =	sor.u32 s19, s22;
	s22 =	sand.u32 s24, s9  }
0x48: {  	v59 =	vld [tilespmem:s15+$0xFFFFFFF0];
	[tilespmem:s16+$0x2850 ss:$0x81] =	vst.msk $0xffff, v3;
	s23 =	smulhi.u32 $0xAAAAAAAB, s20;
	s18 =	ssub.s32 s18, s22;
	s22 =	smov.u32 s8  }
0x49: {  	[tilespmem:s16+$0x3060 ss:$0x81] =	vst.msk $0xffff, v2;
	s25 =	smulhi.u32 $0xAAAAAAAB, s19;
	s22 =	simm.s32 @!p1 $0x2F80;
	s27 =	sadd.s32 $0xFFFFFFE1, s18  }
0x4a: {  	v60 =	vld [tilespmem:s15+$0x0];
	[tilespmem:s16+$0x0 ss:$0x81] =	vst.msk $0xffff, v1;
	s18 =	ssub.s32 $0x20, s18;
	s21 =	sshrl.u32 s23, $0xD;
	s23 =	sshra.s32 s8, $0x1F  }
0x4b: {  	v61 =	vld [tilespmem:s15+$0x10];
	[tilespmem:s17+$0x3870 ss:$0x81] =	vst.msk $0xffff, v0;
	s16 =	sshrl.u32 s25, $0xD;
	s18 =	smul.u32 $0x55, s18;
	s26 =	sand.u32 s23, s8  }
0x4c: {  	v62 =	vld [tilespmem:s15+$0x20];
	[tilespmem:s17+$0x810 ss:$0x81] =	vst.msk $0xffff, v5;
	s16 =	sand.u32 $0x1F, s16;
	s29 =	smul.u32 $0x3000, s21;
	s19 =	ssub.s32 s22, s26  }
0x4d: {  	v63 =	vld [tilespmem:s15+$0xFFFFFFC0];
	[tilespmem:s17+$0x1020 ss:$0x81] =	vst.msk $0xffff, v58;
	p1 =	sgt.s32 s27, $0x0;
	s16 =	smul.u32 $0x600, s16;
	s28 =	sadd.s32 $0xFFFFD080, s19  }
0x4e: {  	[tilespmem:s17+$0x1830 ss:$0x81] =	vst.msk $0xffff, v59;
	s18 =	simm.s32 @p1 $0x0;
	s19 =	ssub.s32 $0x3000, s19;
	p2 =	sgt.s32 s28, $0x7F  }
.Ltmp4:
0x4f: {  	[tilespmem:s17+$0x2040 ss:$0x81] =	vst.msk $0xffff, v60;
	s15 =	ssub.s32 s20, s29;
	s19 =	simm.s32 @p2 $0x0;
	(pc) =	sbr.rel .LBB1_5-.Ltmp4, $4  }
0x50: {  	[tilespmem:s17+$0x2850 ss:$0x81] =	vst.msk $0xffff, v61;
	s30 =	sshrl.u32 s15, $0x3;
	s15 =	sand.u32 $0x7, s15;
	s18 =	smul.u32 s19, s18  }
0x51: {  	[tilespmem:s17+$0x3060 ss:$0x81] =	vst.msk $0xffff, v62;
	s15 =	sshll.u32 s15, $0x12;
	s19 =	sadd.s32 s2, s30  }
0x52: {  	[tilespmem:s17+$0x0 ss:$0x81] =	vst.msk $0xffff, v63;
	s15 =	sor.u32 $0x80, s15;
	s16 =	sadd.s32 s16, s19;
	s31 =	sand.u32 $0x3FFFFFFF, s18  }
0x53: {  	[hbm4b:s16+s15] =	stream.strided.scatter [tilespmem:s14], [sflag:$0x2], s31, s6, s15, $0x20;
	[tilespmem:$0x10100] =	vst v63  }
.LBB1_6:
0x54: {  	_ =	sfence.sel $0x180000  }
0x55: {  	s2 =	simm.s32 $0x1;
	[bflag:$0x0] =	sbarrier.arrive $0xFFFF  }
0x56: {  	s31 =	simm.s32 $0x2;
	[sflag:s2] =	ssyncpa.u1 $0x1  }
0x57: {  	[sflag:s31] =	ssyncpa.u1 $0x1  }
0x58: {  	p0 =	sne.s32 s1, $0x0;
	_ =	strace $0x9000004A  }
0x59: {  	s0 =	sadd.s32 @!p0 $0x100000, s0;
	[bflag:$0x2] =	sbarrier.arrive $0xFFFF  }
0x5a: {  	[sflag:s0] =	ssyncadd.tile.s32 @!p0 $0x1;
	_ =	shalt  }
.Lfunc_end1:
_tile_overlayer_lowered:
.L_overlay_start_2:
0x5b: {  	(tag) =	ssettag $0x2  }
0x5c: {  	s0 =	rddreg [dreg:$0x0];
	s2 =	stileid.u32  }
0x5d: {  	s1 =	rddreg [dreg:$0x1];
	p0 =	sne.s32 s2, $0x0  }
0x5e: {  	s3 =	rddreg [dreg:$0x2];
	[bflag:$0x3] =	sbarrier.arrive $0xFFFF;
	s2 =	simm.s32 @!p0 $0x1C01  }
0x5f: {  	[timem:s3], [sflag:s2] =	dma.local @!p0 [hbm:s0], s1  }
0x60: {  	s0 =	simm.s32 @!p0 $0x1  }
0x61: {  	_ =	swait.ge @!p0 [sflag:s0], s1  }
0x62: {  	s1 =	ssub.s32 @!p0 $0x0, s1;
	[sflag:s0] =	ssyncset.done @!p0 $0x0  }
0x63: {  	[sflag:s0] =	ssyncadd.s32 @!p0 s1  }
0x64: {  	[bflag:$0x3] =	sbarrier.arrive $0xFFFF  }
0x65: {  	_ =	shalt  }

</sc_bundles>
